<compile_context>
chip_gen: v7x
topology: tpu7x:2x2x1
jax: 0.10.2.dev20260603
libtpu: 0.0.44.dev20260713+nightly
codegen_flags: <defaults>
</compile_context>

<pallas_src>
import jax
import jax.numpy as jnp
from jax import lax
from jax.experimental import pallas as pl
from jax.experimental.pallas import tpu as pltpu
from jax.experimental.pallas import tpu_sc as plsc

M = 1000000
B = 16384
F = 64
NC = 2
NS = 16
NW = NC * NS

HEAD = B // NW
CHE = 7680
NCHE = 4
TAILW = CHE * NCHE
TAIL_BASE = B
REM_START = B + NW * TAILW
REM = M - REM_START

RB = 3 * B
NBLK = (M + RB - 1) // RB


def _sc_body(lab, taskb, imp, zi, zf,
             out_l, out_t, out_i,
             lbuf, tbuf, ibuf, z1i, z1f,
             seml, semt, semi):
    c = lax.axis_index("c")
    s = lax.axis_index("s")
    w = s * NC + c

    hs = w * HEAD
    ts = TAIL_BASE + w * TAILW

    pltpu.sync_copy(zi, z1i)
    pltpu.sync_copy(zf, z1f)
    pltpu.sync_copy(lab.at[pl.ds(hs, HEAD)], lbuf)
    pltpu.sync_copy(taskb.at[pl.ds(hs, HEAD)], tbuf)
    pltpu.sync_copy(imp.at[pl.ds(hs, HEAD)], ibuf)

    h1 = pltpu.async_copy(lbuf, out_l.at[pl.ds(hs, HEAD)], seml)
    h2 = pltpu.async_copy(tbuf, out_t.at[pl.ds(hs, HEAD)], semt)
    h3 = pltpu.async_copy(ibuf, out_i.at[pl.ds(hs, HEAD)], semi)

    uh = []
    for k in range(NCHE):
        uh.append(pltpu.async_copy(z1i, out_l.at[pl.ds(ts + k * CHE, CHE)], seml))
        uh.append(pltpu.async_copy(z1i, out_t.at[pl.ds(ts + k * CHE, CHE)], semt))
        uh.append(pltpu.async_copy(z1f, out_i.at[pl.ds(ts + k * CHE, CHE)], semi))

    h1.wait(); h2.wait(); h3.wait()
    for h in uh:
        h.wait()

    @pl.when(w == NW - 1)
    def _():
        r1 = pltpu.async_copy(z1i.at[pl.ds(0, REM)], out_l.at[pl.ds(REM_START, REM)], seml)
        r2 = pltpu.async_copy(z1i.at[pl.ds(0, REM)], out_t.at[pl.ds(REM_START, REM)], semt)
        r3 = pltpu.async_copy(z1f.at[pl.ds(0, REM)], out_i.at[pl.ds(REM_START, REM)], semi)
        r1.wait(); r2.wait(); r3.wait()


ZC = 32768
NZ = (M - B) // ZC
ZREM = (M - B) - NZ * ZC


def _tc_body(featT_hbm, out_hbm, zbuf, fvbuf, sem0, sem1):
    rd = pltpu.make_async_copy(featT_hbm, fvbuf, sem0)
    rd.start()
    zbuf[...] = jnp.zeros((F, ZC), jnp.float32)
    rd.wait()

    hw = pltpu.make_async_copy(fvbuf, out_hbm.at[:, pl.ds(0, B)], sem0)
    hw.start()
    tails = []
    for k in range(NZ):
        t = pltpu.make_async_copy(
            zbuf, out_hbm.at[:, pl.ds(B + k * ZC, ZC)], sem1)
        t.start()
        tails.append(t)
    hw.wait()
    for t in tails:
        t.wait()


def _tc_rem_body(in_ref, out_ref):
    out_ref[...] = jnp.zeros_like(out_ref)


def kernel(features, labels, task_id, importance,
           memory_features, memory_labels, memory_tasks, memory_importance):
    taskb = jnp.full((B,), task_id, dtype=jnp.int32)
    zi = jnp.zeros((CHE,), dtype=jnp.int32)
    zf = jnp.zeros((CHE,), dtype=jnp.float32)

    out_fT = pl.pallas_call(
        _tc_body,
        out_shape=jax.ShapeDtypeStruct((F, M), jnp.float32),
        in_specs=[pl.BlockSpec(memory_space=pl.ANY)],
        out_specs=pl.BlockSpec(memory_space=pl.ANY),
        scratch_shapes=[
            pltpu.VMEM((F, ZC), jnp.float32),
            pltpu.VMEM((F, B), jnp.float32),
            pltpu.SemaphoreType.DMA,
            pltpu.SemaphoreType.DMA,
        ],
    )(features.T)
    out_fT = pl.pallas_call(
        _tc_rem_body,
        out_shape=jax.ShapeDtypeStruct((F, M), jnp.float32),
        grid=(ZREM // 128 + 1,),
        in_specs=[pl.BlockSpec(memory_space=pl.ANY)],
        out_specs=pl.BlockSpec((F, 128), lambda i: (0, (B + NZ * ZC) // 128 + i)),
        input_output_aliases={0: 0},
    )(out_fT)
    out_f = out_fT.T

    mesh = plsc.VectorSubcoreMesh(core_axis_name="c", subcore_axis_name="s")
    run = pl.kernel(
        _sc_body,
        out_type=(
            jax.ShapeDtypeStruct((M,), jnp.int32),
            jax.ShapeDtypeStruct((M,), jnp.int32),
            jax.ShapeDtypeStruct((M,), jnp.float32),
        ),
        mesh=mesh,
        compiler_params=pltpu.CompilerParams(use_tc_tiling_on_sc=True),
        scratch_types=[
            pltpu.VMEM((HEAD,), jnp.int32),
            pltpu.VMEM((HEAD,), jnp.int32),
            pltpu.VMEM((HEAD,), jnp.float32),
            pltpu.VMEM((CHE,), jnp.int32),
            pltpu.VMEM((CHE,), jnp.float32),
            pltpu.SemaphoreType.DMA,
            pltpu.SemaphoreType.DMA,
            pltpu.SemaphoreType.DMA,
        ],
    )
    out_l, out_t, out_i = run(labels, taskb, importance, zi, zf)
    return (out_f, out_l, out_t, out_i)

# --- scband reference (transcript-rebuilt; emitter-appended) ---
"""Pipeline reference for scband-episodic-memory-19816979104416 (READ-ONLY COPY).

The authoritative reference and input builder live on the scoring server;
editing this copy changes nothing except your own understanding.
"""

import jax, jax.numpy as jnp
import numpy as np

MEMORY_SIZE = 1000000
FEATURE_SIZE = 64
BATCH = 16384

def setup_inputs(seed: int = 0) -> dict:
    key = jax.random.key(seed)
    k1, k2, k3 = jax.random.split(key, 3)
    features = jax.random.normal(k1, (BATCH, FEATURE_SIZE), dtype=jnp.float32)
    labels = jax.random.randint(k2, (BATCH,), 0, 1000, dtype=jnp.int32)
    importance = jax.random.uniform(k3, (BATCH,), dtype=jnp.float32)
    memory_features = jnp.zeros((MEMORY_SIZE, FEATURE_SIZE), dtype=jnp.float32)
    memory_labels = jnp.zeros((MEMORY_SIZE,), dtype=jnp.int32)
    memory_tasks = jnp.zeros((MEMORY_SIZE,), dtype=jnp.int32)
    memory_importance = jnp.zeros((MEMORY_SIZE,), dtype=jnp.float32)
    return {
        "features": features,
        "labels": labels,
        "task_id": 1,
        "importance": importance,
        "memory_features": memory_features,
        "memory_labels": memory_labels,
        "memory_tasks": memory_tasks,
        "memory_importance": memory_importance,
    }

def reference(features, labels, task_id, importance, memory_features, memory_labels, memory_tasks, memory_importance):
    # EpisodicMemory.store: ring-buffer scatter-overwrite starting at write_pointer=0.
    # Vectorized form of the per-sample loop: idx_i = (write_pointer + i) % memory_size.
    B = features.shape[0]
    M = memory_features.shape[0]
    idx = jnp.arange(B, dtype=jnp.int32) % M
    mf = memory_features.at[idx].set(features)
    ml = memory_labels.at[idx].set(labels)
    mt = memory_tasks.at[idx].set(jnp.full((B,), task_id, dtype=jnp.int32))
    mi = memory_importance.at[idx].set(importance)
    return (mf, ml, mt, mi)

if __name__ == "__main__":
    import jax
    _d = setup_inputs()
    print(jax.jit(kernel)(*tuple(_d.values())))

</pallas_src>

<mosaic_0001>
#map = affine_map<(d0, d1) -> (0)>
module attributes {stable_mosaic.version = 14 : i64} {
  func.func @_sc_body(%arg0: i32, %arg1: i32, %arg2: memref<16384xi32, #tpu.memory_space<hbm>>, %arg3: memref<16384xi32, #tpu.memory_space<hbm>>, %arg4: memref<16384xf32, #tpu.memory_space<hbm>>, %arg5: memref<7680xi32, #tpu.memory_space<hbm>>, %arg6: memref<7680xf32, #tpu.memory_space<hbm>>, %arg7: memref<1000000xi32, #tpu.memory_space<hbm>>, %arg8: memref<1000000xi32, #tpu.memory_space<hbm>>, %arg9: memref<1000000xf32, #tpu.memory_space<hbm>>, %arg10: memref<512xi32, #tpu.memory_space<vmem>>, %arg11: memref<512xi32, #tpu.memory_space<vmem>>, %arg12: memref<512xf32, #tpu.memory_space<vmem>>, %arg13: memref<7680xi32, #tpu.memory_space<vmem>>, %arg14: memref<7680xf32, #tpu.memory_space<vmem>>, %arg15: memref<!tpu.dma_semaphore, #tpu.memory_space<semaphore_mem>>, %arg16: memref<!tpu.dma_semaphore, #tpu.memory_space<semaphore_mem>>, %arg17: memref<!tpu.dma_semaphore, #tpu.memory_space<semaphore_mem>>) attributes {dimension_semantics = [#tpu.dimension_semantics<core_parallel>, #tpu.dimension_semantics<subcore_parallel>], iteration_bounds = array<i64: 2, 16>, scalar_prefetch = 0 : i64, scratch_operands = 8 : i64, tpu.core_type = #tpu.core_type<sc_vector_subcore>, window_params = [{transform_indices = #map}, {transform_indices = #map}, {transform_indices = #map}, {transform_indices = #map}, {transform_indices = #map}, {transform_indices = #map}, {transform_indices = #map}, {transform_indices = #map}]} {
    %mul3A = arith.constant 2 : i32
    %mul3A_0 = arith.muli %arg1, %mul3A : i32
    %add3A = arith.addi %mul3A_0, %arg0 : i32
    %mul3A_1 = arith.constant 512 : i32
    %mul3A_2 = arith.muli %add3A, %mul3A_1 : i32
    %mul3A_3 = arith.constant 30720 : i32
    %mul3A_4 = arith.muli %add3A, %mul3A_3 : i32
    %add3A_5 = arith.constant 16384 : i32
    %add3A_6 = arith.addi %add3A_5, %mul3A_4 : i32
    "tpu.region"() ({
      %run_scoped3A = tpu.sem_alloc : memref<!tpu.dma_semaphore, #tpu.memory_space<semaphore_mem>>
      tpu.enqueue_dma source(%arg5 : memref<7680xi32, #tpu.memory_space<hbm>>) target(%arg13 : memref<7680xi32, #tpu.memory_space<vmem>>) target_semaphore(%run_scoped3A : memref<!tpu.dma_semaphore, #tpu.memory_space<semaphore_mem>>)
      tpu.wait_dma2 semaphore(%run_scoped3A : memref<!tpu.dma_semaphore, #tpu.memory_space<semaphore_mem>>) src(%arg5 : memref<7680xi32, #tpu.memory_space<hbm>>) dst(%arg13 : memref<7680xi32, #tpu.memory_space<vmem>>)
      tpu.yield
    }) : () -> ()
    "tpu.region"() ({
      %run_scoped3A = tpu.sem_alloc : memref<!tpu.dma_semaphore, #tpu.memory_space<semaphore_mem>>
      tpu.enqueue_dma source(%arg6 : memref<7680xf32, #tpu.memory_space<hbm>>) target(%arg14 : memref<7680xf32, #tpu.memory_space<vmem>>) target_semaphore(%run_scoped3A : memref<!tpu.dma_semaphore, #tpu.memory_space<semaphore_mem>>)
      tpu.wait_dma2 semaphore(%run_scoped3A : memref<!tpu.dma_semaphore, #tpu.memory_space<semaphore_mem>>) src(%arg6 : memref<7680xf32, #tpu.memory_space<hbm>>) dst(%arg14 : memref<7680xf32, #tpu.memory_space<vmem>>)
      tpu.yield
    }) : () -> ()
    "tpu.region"() ({
      %run_scoped3A = tpu.sem_alloc : memref<!tpu.dma_semaphore, #tpu.memory_space<semaphore_mem>>
      %dma_start3A_91 = tpu.memref_slice %arg2[%mul3A_2] : memref<16384xi32, #tpu.memory_space<hbm>> -> memref<512xi32, #tpu.memory_space<hbm>>
      %dma_start3A_92 = tpu.memref_slice %arg2[%mul3A_2] : memref<16384xi32, #tpu.memory_space<hbm>> -> memref<512xi32, #tpu.memory_space<hbm>>
      tpu.enqueue_dma source(%dma_start3A_92 : memref<512xi32, #tpu.memory_space<hbm>>) target(%arg10 : memref<512xi32, #tpu.memory_space<vmem>>) target_semaphore(%run_scoped3A : memref<!tpu.dma_semaphore, #tpu.memory_space<semaphore_mem>>)
      %dma_wait3A_93 = tpu.memref_slice %arg2[%mul3A_2] : memref<16384xi32, #tpu.memory_space<hbm>> -> memref<512xi32, #tpu.memory_space<hbm>>
      %dma_wait3A_94 = tpu.memref_slice %arg2[%mul3A_2] : memref<16384xi32, #tpu.memory_space<hbm>> -> memref<512xi32, #tpu.memory_space<hbm>>
      tpu.wait_dma2 semaphore(%run_scoped3A : memref<!tpu.dma_semaphore, #tpu.memory_space<semaphore_mem>>) src(%dma_wait3A_94 : memref<512xi32, #tpu.memory_space<hbm>>) dst(%arg10 : memref<512xi32, #tpu.memory_space<vmem>>)
      tpu.yield
    }) : () -> ()
    "tpu.region"() ({
      %run_scoped3A = tpu.sem_alloc : memref<!tpu.dma_semaphore, #tpu.memory_space<semaphore_mem>>
      %dma_start3A_91 = tpu.memref_slice %arg3[%mul3A_2] : memref<16384xi32, #tpu.memory_space<hbm>> -> memref<512xi32, #tpu.memory_space<hbm>>
      %dma_start3A_92 = tpu.memref_slice %arg3[%mul3A_2] : memref<16384xi32, #tpu.memory_space<hbm>> -> memref<512xi32, #tpu.memory_space<hbm>>
      tpu.enqueue_dma source(%dma_start3A_92 : memref<512xi32, #tpu.memory_space<hbm>>) target(%arg11 : memref<512xi32, #tpu.memory_space<vmem>>) target_semaphore(%run_scoped3A : memref<!tpu.dma_semaphore, #tpu.memory_space<semaphore_mem>>)
      %dma_wait3A_93 = tpu.memref_slice %arg3[%mul3A_2] : memref<16384xi32, #tpu.memory_space<hbm>> -> memref<512xi32, #tpu.memory_space<hbm>>
      %dma_wait3A_94 = tpu.memref_slice %arg3[%mul3A_2] : memref<16384xi32, #tpu.memory_space<hbm>> -> memref<512xi32, #tpu.memory_space<hbm>>
      tpu.wait_dma2 semaphore(%run_scoped3A : memref<!tpu.dma_semaphore, #tpu.memory_space<semaphore_mem>>) src(%dma_wait3A_94 : memref<512xi32, #tpu.memory_space<hbm>>) dst(%arg11 : memref<512xi32, #tpu.memory_space<vmem>>)
      tpu.yield
    }) : () -> ()
    "tpu.region"() ({
      %run_scoped3A = tpu.sem_alloc : memref<!tpu.dma_semaphore, #tpu.memory_space<semaphore_mem>>
      %dma_start3A_91 = tpu.memref_slice %arg4[%mul3A_2] : memref<16384xf32, #tpu.memory_space<hbm>> -> memref<512xf32, #tpu.memory_space<hbm>>
      %dma_start3A_92 = tpu.memref_slice %arg4[%mul3A_2] : memref<16384xf32, #tpu.memory_space<hbm>> -> memref<512xf32, #tpu.memory_space<hbm>>
      tpu.enqueue_dma source(%dma_start3A_92 : memref<512xf32, #tpu.memory_space<hbm>>) target(%arg12 : memref<512xf32, #tpu.memory_space<vmem>>) target_semaphore(%run_scoped3A : memref<!tpu.dma_semaphore, #tpu.memory_space<semaphore_mem>>)
      %dma_wait3A_93 = tpu.memref_slice %arg4[%mul3A_2] : memref<16384xf32, #tpu.memory_space<hbm>> -> memref<512xf32, #tpu.memory_space<hbm>>
      %dma_wait3A_94 = tpu.memref_slice %arg4[%mul3A_2] : memref<16384xf32, #tpu.memory_space<hbm>> -> memref<512xf32, #tpu.memory_space<hbm>>
      tpu.wait_dma2 semaphore(%run_scoped3A : memref<!tpu.dma_semaphore, #tpu.memory_space<semaphore_mem>>) src(%dma_wait3A_94 : memref<512xf32, #tpu.memory_space<hbm>>) dst(%arg12 : memref<512xf32, #tpu.memory_space<vmem>>)
      tpu.yield
    }) : () -> ()
    %dma_start3A = tpu.memref_slice %arg7[%mul3A_2] : memref<1000000xi32, #tpu.memory_space<hbm>> -> memref<512xi32, #tpu.memory_space<hbm>>
    %dma_start3A_7 = tpu.memref_slice %arg7[%mul3A_2] : memref<1000000xi32, #tpu.memory_space<hbm>> -> memref<512xi32, #tpu.memory_space<hbm>>
    tpu.enqueue_dma source(%arg10 : memref<512xi32, #tpu.memory_space<vmem>>) target(%dma_start3A_7 : memref<512xi32, #tpu.memory_space<hbm>>) target_semaphore(%arg15 : memref<!tpu.dma_semaphore, #tpu.memory_space<semaphore_mem>>)
    %dma_start3A_8 = tpu.memref_slice %arg8[%mul3A_2] : memref<1000000xi32, #tpu.memory_space<hbm>> -> memref<512xi32, #tpu.memory_space<hbm>>
    %dma_start3A_9 = tpu.memref_slice %arg8[%mul3A_2] : memref<1000000xi32, #tpu.memory_space<hbm>> -> memref<512xi32, #tpu.memory_space<hbm>>
    tpu.enqueue_dma source(%arg11 : memref<512xi32, #tpu.memory_space<vmem>>) target(%dma_start3A_9 : memref<512xi32, #tpu.memory_space<hbm>>) target_semaphore(%arg16 : memref<!tpu.dma_semaphore, #tpu.memory_space<semaphore_mem>>)
    %dma_start3A_10 = tpu.memref_slice %arg9[%mul3A_2] : memref<1000000xf32, #tpu.memory_space<hbm>> -> memref<512xf32, #tpu.memory_space<hbm>>
    %dma_start3A_11 = tpu.memref_slice %arg9[%mul3A_2] : memref<1000000xf32, #tpu.memory_space<hbm>> -> memref<512xf32, #tpu.memory_space<hbm>>
    tpu.enqueue_dma source(%arg12 : memref<512xf32, #tpu.memory_space<vmem>>) target(%dma_start3A_11 : memref<512xf32, #tpu.memory_space<hbm>>) target_semaphore(%arg17 : memref<!tpu.dma_semaphore, #tpu.memory_space<semaphore_mem>>)
    %add3A_12 = arith.constant 0 : i32
    %add3A_13 = arith.addi %add3A_6, %add3A_12 : i32
    %dma_start3A_14 = tpu.memref_slice %arg7[%add3A_13] : memref<1000000xi32, #tpu.memory_space<hbm>> -> memref<7680xi32, #tpu.memory_space<hbm>>
    %dma_start3A_15 = tpu.memref_slice %arg7[%add3A_13] : memref<1000000xi32, #tpu.memory_space<hbm>> -> memref<7680xi32, #tpu.memory_space<hbm>>
    tpu.enqueue_dma source(%arg13 : memref<7680xi32, #tpu.memory_space<vmem>>) target(%dma_start3A_15 : memref<7680xi32, #tpu.memory_space<hbm>>) target_semaphore(%arg15 : memref<!tpu.dma_semaphore, #tpu.memory_space<semaphore_mem>>)
    %add3A_16 = arith.constant 0 : i32
    %add3A_17 = arith.addi %add3A_6, %add3A_16 : i32
    %dma_start3A_18 = tpu.memref_slice %arg8[%add3A_17] : memref<1000000xi32, #tpu.memory_space<hbm>> -> memref<7680xi32, #tpu.memory_space<hbm>>
    %dma_start3A_19 = tpu.memref_slice %arg8[%add3A_17] : memref<1000000xi32, #tpu.memory_space<hbm>> -> memref<7680xi32, #tpu.memory_space<hbm>>
    tpu.enqueue_dma source(%arg13 : memref<7680xi32, #tpu.memory_space<vmem>>) target(%dma_start3A_19 : memref<7680xi32, #tpu.memory_space<hbm>>) target_semaphore(%arg16 : memref<!tpu.dma_semaphore, #tpu.memory_space<semaphore_mem>>)
    %add3A_20 = arith.constant 0 : i32
    %add3A_21 = arith.addi %add3A_6, %add3A_20 : i32
    %dma_start3A_22 = tpu.memref_slice %arg9[%add3A_21] : memref<1000000xf32, #tpu.memory_space<hbm>> -> memref<7680xf32, #tpu.memory_space<hbm>>
    %dma_start3A_23 = tpu.memref_slice %arg9[%add3A_21] : memref<1000000xf32, #tpu.memory_space<hbm>> -> memref<7680xf32, #tpu.memory_space<hbm>>
    tpu.enqueue_dma source(%arg14 : memref<7680xf32, #tpu.memory_space<vmem>>) target(%dma_start3A_23 : memref<7680xf32, #tpu.memory_space<hbm>>) target_semaphore(%arg17 : memref<!tpu.dma_semaphore, #tpu.memory_space<semaphore_mem>>)
    %add3A_24 = arith.constant 7680 : i32
    %add3A_25 = arith.addi %add3A_6, %add3A_24 : i32
    %dma_start3A_26 = tpu.memref_slice %arg7[%add3A_25] : memref<1000000xi32, #tpu.memory_space<hbm>> -> memref<7680xi32, #tpu.memory_space<hbm>>
    %dma_start3A_27 = tpu.memref_slice %arg7[%add3A_25] : memref<1000000xi32, #tpu.memory_space<hbm>> -> memref<7680xi32, #tpu.memory_space<hbm>>
    tpu.enqueue_dma source(%arg13 : memref<7680xi32, #tpu.memory_space<vmem>>) target(%dma_start3A_27 : memref<7680xi32, #tpu.memory_space<hbm>>) target_semaphore(%arg15 : memref<!tpu.dma_semaphore, #tpu.memory_space<semaphore_mem>>)
    %add3A_28 = arith.constant 7680 : i32
    %add3A_29 = arith.addi %add3A_6, %add3A_28 : i32
    %dma_start3A_30 = tpu.memref_slice %arg8[%add3A_29] : memref<1000000xi32, #tpu.memory_space<hbm>> -> memref<7680xi32, #tpu.memory_space<hbm>>
    %dma_start3A_31 = tpu.memref_slice %arg8[%add3A_29] : memref<1000000xi32, #tpu.memory_space<hbm>> -> memref<7680xi32, #tpu.memory_space<hbm>>
    tpu.enqueue_dma source(%arg13 : memref<7680xi32, #tpu.memory_space<vmem>>) target(%dma_start3A_31 : memref<7680xi32, #tpu.memory_space<hbm>>) target_semaphore(%arg16 : memref<!tpu.dma_semaphore, #tpu.memory_space<semaphore_mem>>)
    %add3A_32 = arith.constant 7680 : i32
    %add3A_33 = arith.addi %add3A_6, %add3A_32 : i32
    %dma_start3A_34 = tpu.memref_slice %arg9[%add3A_33] : memref<1000000xf32, #tpu.memory_space<hbm>> -> memref<7680xf32, #tpu.memory_space<hbm>>
    %dma_start3A_35 = tpu.memref_slice %arg9[%add3A_33] : memref<1000000xf32, #tpu.memory_space<hbm>> -> memref<7680xf32, #tpu.memory_space<hbm>>
    tpu.enqueue_dma source(%arg14 : memref<7680xf32, #tpu.memory_space<vmem>>) target(%dma_start3A_35 : memref<7680xf32, #tpu.memory_space<hbm>>) target_semaphore(%arg17 : memref<!tpu.dma_semaphore, #tpu.memory_space<semaphore_mem>>)
    %add3A_36 = arith.constant 15360 : i32
    %add3A_37 = arith.addi %add3A_6, %add3A_36 : i32
    %dma_start3A_38 = tpu.memref_slice %arg7[%add3A_37] : memref<1000000xi32, #tpu.memory_space<hbm>> -> memref<7680xi32, #tpu.memory_space<hbm>>
    %dma_start3A_39 = tpu.memref_slice %arg7[%add3A_37] : memref<1000000xi32, #tpu.memory_space<hbm>> -> memref<7680xi32, #tpu.memory_space<hbm>>
    tpu.enqueue_dma source(%arg13 : memref<7680xi32, #tpu.memory_space<vmem>>) target(%dma_start3A_39 : memref<7680xi32, #tpu.memory_space<hbm>>) target_semaphore(%arg15 : memref<!tpu.dma_semaphore, #tpu.memory_space<semaphore_mem>>)
    %add3A_40 = arith.constant 15360 : i32
    %add3A_41 = arith.addi %add3A_6, %add3A_40 : i32
    %dma_start3A_42 = tpu.memref_slice %arg8[%add3A_41] : memref<1000000xi32, #tpu.memory_space<hbm>> -> memref<7680xi32, #tpu.memory_space<hbm>>
    %dma_start3A_43 = tpu.memref_slice %arg8[%add3A_41] : memref<1000000xi32, #tpu.memory_space<hbm>> -> memref<7680xi32, #tpu.memory_space<hbm>>
    tpu.enqueue_dma source(%arg13 : memref<7680xi32, #tpu.memory_space<vmem>>) target(%dma_start3A_43 : memref<7680xi32, #tpu.memory_space<hbm>>) target_semaphore(%arg16 : memref<!tpu.dma_semaphore, #tpu.memory_space<semaphore_mem>>)
    %add3A_44 = arith.constant 15360 : i32
    %add3A_45 = arith.addi %add3A_6, %add3A_44 : i32
    %dma_start3A_46 = tpu.memref_slice %arg9[%add3A_45] : memref<1000000xf32, #tpu.memory_space<hbm>> -> memref<7680xf32, #tpu.memory_space<hbm>>
    %dma_start3A_47 = tpu.memref_slice %arg9[%add3A_45] : memref<1000000xf32, #tpu.memory_space<hbm>> -> memref<7680xf32, #tpu.memory_space<hbm>>
    tpu.enqueue_dma source(%arg14 : memref<7680xf32, #tpu.memory_space<vmem>>) target(%dma_start3A_47 : memref<7680xf32, #tpu.memory_space<hbm>>) target_semaphore(%arg17 : memref<!tpu.dma_semaphore, #tpu.memory_space<semaphore_mem>>)
    %add3A_48 = arith.constant 23040 : i32
    %add3A_49 = arith.addi %add3A_6, %add3A_48 : i32
    %dma_start3A_50 = tpu.memref_slice %arg7[%add3A_49] : memref<1000000xi32, #tpu.memory_space<hbm>> -> memref<7680xi32, #tpu.memory_space<hbm>>
    %dma_start3A_51 = tpu.memref_slice %arg7[%add3A_49] : memref<1000000xi32, #tpu.memory_space<hbm>> -> memref<7680xi32, #tpu.memory_space<hbm>>
    tpu.enqueue_dma source(%arg13 : memref<7680xi32, #tpu.memory_space<vmem>>) target(%dma_start3A_51 : memref<7680xi32, #tpu.memory_space<hbm>>) target_semaphore(%arg15 : memref<!tpu.dma_semaphore, #tpu.memory_space<semaphore_mem>>)
    %add3A_52 = arith.constant 23040 : i32
    %add3A_53 = arith.addi %add3A_6, %add3A_52 : i32
    %dma_start3A_54 = tpu.memref_slice %arg8[%add3A_53] : memref<1000000xi32, #tpu.memory_space<hbm>> -> memref<7680xi32, #tpu.memory_space<hbm>>
    %dma_start3A_55 = tpu.memref_slice %arg8[%add3A_53] : memref<1000000xi32, #tpu.memory_space<hbm>> -> memref<7680xi32, #tpu.memory_space<hbm>>
    tpu.enqueue_dma source(%arg13 : memref<7680xi32, #tpu.memory_space<vmem>>) target(%dma_start3A_55 : memref<7680xi32, #tpu.memory_space<hbm>>) target_semaphore(%arg16 : memref<!tpu.dma_semaphore, #tpu.memory_space<semaphore_mem>>)
    %add3A_56 = arith.constant 23040 : i32
    %add3A_57 = arith.addi %add3A_6, %add3A_56 : i32
    %dma_start3A_58 = tpu.memref_slice %arg9[%add3A_57] : memref<1000000xf32, #tpu.memory_space<hbm>> -> memref<7680xf32, #tpu.memory_space<hbm>>
    %dma_start3A_59 = tpu.memref_slice %arg9[%add3A_57] : memref<1000000xf32, #tpu.memory_space<hbm>> -> memref<7680xf32, #tpu.memory_space<hbm>>
    tpu.enqueue_dma source(%arg14 : memref<7680xf32, #tpu.memory_space<vmem>>) target(%dma_start3A_59 : memref<7680xf32, #tpu.memory_space<hbm>>) target_semaphore(%arg17 : memref<!tpu.dma_semaphore, #tpu.memory_space<semaphore_mem>>)
    %dma_wait3A = tpu.memref_slice %arg7[%mul3A_2] : memref<1000000xi32, #tpu.memory_space<hbm>> -> memref<512xi32, #tpu.memory_space<hbm>>
    %dma_wait3A_60 = tpu.memref_slice %arg7[%mul3A_2] : memref<1000000xi32, #tpu.memory_space<hbm>> -> memref<512xi32, #tpu.memory_space<hbm>>
    tpu.wait_dma2 semaphore(%arg15 : memref<!tpu.dma_semaphore, #tpu.memory_space<semaphore_mem>>) src(%arg10 : memref<512xi32, #tpu.memory_space<vmem>>) dst(%dma_wait3A_60 : memref<512xi32, #tpu.memory_space<hbm>>)
    %dma_wait3A_61 = tpu.memref_slice %arg8[%mul3A_2] : memref<1000000xi32, #tpu.memory_space<hbm>> -> memref<512xi32, #tpu.memory_space<hbm>>
    %dma_wait3A_62 = tpu.memref_slice %arg8[%mul3A_2] : memref<1000000xi32, #tpu.memory_space<hbm>> -> memref<512xi32, #tpu.memory_space<hbm>>
    tpu.wait_dma2 semaphore(%arg16 : memref<!tpu.dma_semaphore, #tpu.memory_space<semaphore_mem>>) src(%arg11 : memref<512xi32, #tpu.memory_space<vmem>>) dst(%dma_wait3A_62 : memref<512xi32, #tpu.memory_space<hbm>>)
    %dma_wait3A_63 = tpu.memref_slice %arg9[%mul3A_2] : memref<1000000xf32, #tpu.memory_space<hbm>> -> memref<512xf32, #tpu.memory_space<hbm>>
    %dma_wait3A_64 = tpu.memref_slice %arg9[%mul3A_2] : memref<1000000xf32, #tpu.memory_space<hbm>> -> memref<512xf32, #tpu.memory_space<hbm>>
    tpu.wait_dma2 semaphore(%arg17 : memref<!tpu.dma_semaphore, #tpu.memory_space<semaphore_mem>>) src(%arg12 : memref<512xf32, #tpu.memory_space<vmem>>) dst(%dma_wait3A_64 : memref<512xf32, #tpu.memory_space<hbm>>)
    %dma_wait3A_65 = tpu.memref_slice %arg7[%add3A_13] : memref<1000000xi32, #tpu.memory_space<hbm>> -> memref<7680xi32, #tpu.memory_space<hbm>>
    %dma_wait3A_66 = tpu.memref_slice %arg7[%add3A_13] : memref<1000000xi32, #tpu.memory_space<hbm>> -> memref<7680xi32, #tpu.memory_space<hbm>>
    tpu.wait_dma2 semaphore(%arg15 : memref<!tpu.dma_semaphore, #tpu.memory_space<semaphore_mem>>) src(%arg13 : memref<7680xi32, #tpu.memory_space<vmem>>) dst(%dma_wait3A_66 : memref<7680xi32, #tpu.memory_space<hbm>>)
    %dma_wait3A_67 = tpu.memref_slice %arg8[%add3A_17] : memref<1000000xi32, #tpu.memory_space<hbm>> -> memref<7680xi32, #tpu.memory_space<hbm>>
    %dma_wait3A_68 = tpu.memref_slice %arg8[%add3A_17] : memref<1000000xi32, #tpu.memory_space<hbm>> -> memref<7680xi32, #tpu.memory_space<hbm>>
    tpu.wait_dma2 semaphore(%arg16 : memref<!tpu.dma_semaphore, #tpu.memory_space<semaphore_mem>>) src(%arg13 : memref<7680xi32, #tpu.memory_space<vmem>>) dst(%dma_wait3A_68 : memref<7680xi32, #tpu.memory_space<hbm>>)
    %dma_wait3A_69 = tpu.memref_slice %arg9[%add3A_21] : memref<1000000xf32, #tpu.memory_space<hbm>> -> memref<7680xf32, #tpu.memory_space<hbm>>
    %dma_wait3A_70 = tpu.memref_slice %arg9[%add3A_21] : memref<1000000xf32, #tpu.memory_space<hbm>> -> memref<7680xf32, #tpu.memory_space<hbm>>
    tpu.wait_dma2 semaphore(%arg17 : memref<!tpu.dma_semaphore, #tpu.memory_space<semaphore_mem>>) src(%arg14 : memref<7680xf32, #tpu.memory_space<vmem>>) dst(%dma_wait3A_70 : memref<7680xf32, #tpu.memory_space<hbm>>)
    %dma_wait3A_71 = tpu.memref_slice %arg7[%add3A_25] : memref<1000000xi32, #tpu.memory_space<hbm>> -> memref<7680xi32, #tpu.memory_space<hbm>>
    %dma_wait3A_72 = tpu.memref_slice %arg7[%add3A_25] : memref<1000000xi32, #tpu.memory_space<hbm>> -> memref<7680xi32, #tpu.memory_space<hbm>>
    tpu.wait_dma2 semaphore(%arg15 : memref<!tpu.dma_semaphore, #tpu.memory_space<semaphore_mem>>) src(%arg13 : memref<7680xi32, #tpu.memory_space<vmem>>) dst(%dma_wait3A_72 : memref<7680xi32, #tpu.memory_space<hbm>>)
    %dma_wait3A_73 = tpu.memref_slice %arg8[%add3A_29] : memref<1000000xi32, #tpu.memory_space<hbm>> -> memref<7680xi32, #tpu.memory_space<hbm>>
    %dma_wait3A_74 = tpu.memref_slice %arg8[%add3A_29] : memref<1000000xi32, #tpu.memory_space<hbm>> -> memref<7680xi32, #tpu.memory_space<hbm>>
    tpu.wait_dma2 semaphore(%arg16 : memref<!tpu.dma_semaphore, #tpu.memory_space<semaphore_mem>>) src(%arg13 : memref<7680xi32, #tpu.memory_space<vmem>>) dst(%dma_wait3A_74 : memref<7680xi32, #tpu.memory_space<hbm>>)
    %dma_wait3A_75 = tpu.memref_slice %arg9[%add3A_33] : memref<1000000xf32, #tpu.memory_space<hbm>> -> memref<7680xf32, #tpu.memory_space<hbm>>
    %dma_wait3A_76 = tpu.memref_slice %arg9[%add3A_33] : memref<1000000xf32, #tpu.memory_space<hbm>> -> memref<7680xf32, #tpu.memory_space<hbm>>
    tpu.wait_dma2 semaphore(%arg17 : memref<!tpu.dma_semaphore, #tpu.memory_space<semaphore_mem>>) src(%arg14 : memref<7680xf32, #tpu.memory_space<vmem>>) dst(%dma_wait3A_76 : memref<7680xf32, #tpu.memory_space<hbm>>)
    %dma_wait3A_77 = tpu.memref_slice %arg7[%add3A_37] : memref<1000000xi32, #tpu.memory_space<hbm>> -> memref<7680xi32, #tpu.memory_space<hbm>>
    %dma_wait3A_78 = tpu.memref_slice %arg7[%add3A_37] : memref<1000000xi32, #tpu.memory_space<hbm>> -> memref<7680xi32, #tpu.memory_space<hbm>>
    tpu.wait_dma2 semaphore(%arg15 : memref<!tpu.dma_semaphore, #tpu.memory_space<semaphore_mem>>) src(%arg13 : memref<7680xi32, #tpu.memory_space<vmem>>) dst(%dma_wait3A_78 : memref<7680xi32, #tpu.memory_space<hbm>>)
    %dma_wait3A_79 = tpu.memref_slice %arg8[%add3A_41] : memref<1000000xi32, #tpu.memory_space<hbm>> -> memref<7680xi32, #tpu.memory_space<hbm>>
    %dma_wait3A_80 = tpu.memref_slice %arg8[%add3A_41] : memref<1000000xi32, #tpu.memory_space<hbm>> -> memref<7680xi32, #tpu.memory_space<hbm>>
    tpu.wait_dma2 semaphore(%arg16 : memref<!tpu.dma_semaphore, #tpu.memory_space<semaphore_mem>>) src(%arg13 : memref<7680xi32, #tpu.memory_space<vmem>>) dst(%dma_wait3A_80 : memref<7680xi32, #tpu.memory_space<hbm>>)
    %dma_wait3A_81 = tpu.memref_slice %arg9[%add3A_45] : memref<1000000xf32, #tpu.memory_space<hbm>> -> memref<7680xf32, #tpu.memory_space<hbm>>
    %dma_wait3A_82 = tpu.memref_slice %arg9[%add3A_45] : memref<1000000xf32, #tpu.memory_space<hbm>> -> memref<7680xf32, #tpu.memory_space<hbm>>
    tpu.wait_dma2 semaphore(%arg17 : memref<!tpu.dma_semaphore, #tpu.memory_space<semaphore_mem>>) src(%arg14 : memref<7680xf32, #tpu.memory_space<vmem>>) dst(%dma_wait3A_82 : memref<7680xf32, #tpu.memory_space<hbm>>)
    %dma_wait3A_83 = tpu.memref_slice %arg7[%add3A_49] : memref<1000000xi32, #tpu.memory_space<hbm>> -> memref<7680xi32, #tpu.memory_space<hbm>>
    %dma_wait3A_84 = tpu.memref_slice %arg7[%add3A_49] : memref<1000000xi32, #tpu.memory_space<hbm>> -> memref<7680xi32, #tpu.memory_space<hbm>>
    tpu.wait_dma2 semaphore(%arg15 : memref<!tpu.dma_semaphore, #tpu.memory_space<semaphore_mem>>) src(%arg13 : memref<7680xi32, #tpu.memory_space<vmem>>) dst(%dma_wait3A_84 : memref<7680xi32, #tpu.memory_space<hbm>>)
    %dma_wait3A_85 = tpu.memref_slice %arg8[%add3A_53] : memref<1000000xi32, #tpu.memory_space<hbm>> -> memref<7680xi32, #tpu.memory_space<hbm>>
    %dma_wait3A_86 = tpu.memref_slice %arg8[%add3A_53] : memref<1000000xi32, #tpu.memory_space<hbm>> -> memref<7680xi32, #tpu.memory_space<hbm>>
    tpu.wait_dma2 semaphore(%arg16 : memref<!tpu.dma_semaphore, #tpu.memory_space<semaphore_mem>>) src(%arg13 : memref<7680xi32, #tpu.memory_space<vmem>>) dst(%dma_wait3A_86 : memref<7680xi32, #tpu.memory_space<hbm>>)
    %dma_wait3A_87 = tpu.memref_slice %arg9[%add3A_57] : memref<1000000xf32, #tpu.memory_space<hbm>> -> memref<7680xf32, #tpu.memory_space<hbm>>
    %dma_wait3A_88 = tpu.memref_slice %arg9[%add3A_57] : memref<1000000xf32, #tpu.memory_space<hbm>> -> memref<7680xf32, #tpu.memory_space<hbm>>
    tpu.wait_dma2 semaphore(%arg17 : memref<!tpu.dma_semaphore, #tpu.memory_space<semaphore_mem>>) src(%arg14 : memref<7680xf32, #tpu.memory_space<vmem>>) dst(%dma_wait3A_88 : memref<7680xf32, #tpu.memory_space<hbm>>)
    %eq3A = arith.constant 31 : i32
    %eq3A_89 = arith.cmpi eq, %add3A, %eq3A : i32
    %convert_element_type3A = arith.extui %eq3A_89 : i1 to i32
    %cond3A = arith.constant 0 : i32
    %cond3A_90 = arith.cmpi ne, %convert_element_type3A, %cond3A : i32
    scf.if %cond3A_90 {
      %dma_start3A_91 = arith.constant 0 : i32
      %dma_start3A_92 = tpu.memref_slice %arg13[%dma_start3A_91] : memref<7680xi32, #tpu.memory_space<vmem>> -> memref<576xi32, #tpu.memory_space<vmem>>
      %dma_start3A_93 = arith.constant 999424 : i32
      %dma_start3A_94 = tpu.memref_slice %arg7[%dma_start3A_93] : memref<1000000xi32, #tpu.memory_space<hbm>> -> memref<576xi32, #tpu.memory_space<hbm>>
      %dma_start3A_95 = arith.constant 999424 : i32
      %dma_start3A_96 = tpu.memref_slice %arg7[%dma_start3A_95] : memref<1000000xi32, #tpu.memory_space<hbm>> -> memref<576xi32, #tpu.memory_space<hbm>>
      %dma_start3A_97 = arith.constant 0 : i32
      %dma_start3A_98 = tpu.memref_slice %arg13[%dma_start3A_97] : memref<7680xi32, #tpu.memory_space<vmem>> -> memref<576xi32, #tpu.memory_space<vmem>>
      tpu.enqueue_dma source(%dma_start3A_98 : memref<576xi32, #tpu.memory_space<vmem>>) target(%dma_start3A_96 : memref<576xi32, #tpu.memory_space<hbm>>) target_semaphore(%arg15 : memref<!tpu.dma_semaphore, #tpu.memory_space<semaphore_mem>>)
      %dma_start3A_99 = arith.constant 0 : i32
      %dma_start3A_100 = tpu.memref_slice %arg13[%dma_start3A_99] : memref<7680xi32, #tpu.memory_space<vmem>> -> memref<576xi32, #tpu.memory_space<vmem>>
      %dma_start3A_101 = arith.constant 999424 : i32
      %dma_start3A_102 = tpu.memref_slice %arg8[%dma_start3A_101] : memref<1000000xi32, #tpu.memory_space<hbm>> -> memref<576xi32, #tpu.memory_space<hbm>>
      %dma_start3A_103 = arith.constant 999424 : i32
      %dma_start3A_104 = tpu.memref_slice %arg8[%dma_start3A_103] : memref<1000000xi32, #tpu.memory_space<hbm>> -> memref<576xi32, #tpu.memory_space<hbm>>
      %dma_start3A_105 = arith.constant 0 : i32
      %dma_start3A_106 = tpu.memref_slice %arg13[%dma_start3A_105] : memref<7680xi32, #tpu.memory_space<vmem>> -> memref<576xi32, #tpu.memory_space<vmem>>
      tpu.enqueue_dma source(%dma_start3A_106 : memref<576xi32, #tpu.memory_space<vmem>>) target(%dma_start3A_104 : memref<576xi32, #tpu.memory_space<hbm>>) target_semaphore(%arg16 : memref<!tpu.dma_semaphore, #tpu.memory_space<semaphore_mem>>)
      %dma_start3A_107 = arith.constant 0 : i32
      %dma_start3A_108 = tpu.memref_slice %arg14[%dma_start3A_107] : memref<7680xf32, #tpu.memory_space<vmem>> -> memref<576xf32, #tpu.memory_space<vmem>>
      %dma_start3A_109 = arith.constant 999424 : i32
      %dma_start3A_110 = tpu.memref_slice %arg9[%dma_start3A_109] : memref<1000000xf32, #tpu.memory_space<hbm>> -> memref<576xf32, #tpu.memory_space<hbm>>
      %dma_start3A_111 = arith.constant 999424 : i32
      %dma_start3A_112 = tpu.memref_slice %arg9[%dma_start3A_111] : memref<1000000xf32, #tpu.memory_space<hbm>> -> memref<576xf32, #tpu.memory_space<hbm>>
      %dma_start3A_113 = arith.constant 0 : i32
      %dma_start3A_114 = tpu.memref_slice %arg14[%dma_start3A_113] : memref<7680xf32, #tpu.memory_space<vmem>> -> memref<576xf32, #tpu.memory_space<vmem>>
      tpu.enqueue_dma source(%dma_start3A_114 : memref<576xf32, #tpu.memory_space<vmem>>) target(%dma_start3A_112 : memref<576xf32, #tpu.memory_space<hbm>>) target_semaphore(%arg17 : memref<!tpu.dma_semaphore, #tpu.memory_space<semaphore_mem>>)
      %dma_wait3A_115 = arith.constant 0 : i32
      %dma_wait3A_116 = tpu.memref_slice %arg13[%dma_wait3A_115] : memref<7680xi32, #tpu.memory_space<vmem>> -> memref<576xi32, #tpu.memory_space<vmem>>
      %dma_wait3A_117 = arith.constant 999424 : i32
      %dma_wait3A_118 = tpu.memref_slice %arg7[%dma_wait3A_117] : memref<1000000xi32, #tpu.memory_space<hbm>> -> memref<576xi32, #tpu.memory_space<hbm>>
      %dma_wait3A_119 = arith.constant 999424 : i32
      %dma_wait3A_120 = tpu.memref_slice %arg7[%dma_wait3A_119] : memref<1000000xi32, #tpu.memory_space<hbm>> -> memref<576xi32, #tpu.memory_space<hbm>>
      %dma_wait3A_121 = arith.constant 0 : i32
      %dma_wait3A_122 = tpu.memref_slice %arg13[%dma_wait3A_121] : memref<7680xi32, #tpu.memory_space<vmem>> -> memref<576xi32, #tpu.memory_space<vmem>>
      tpu.wait_dma2 semaphore(%arg15 : memref<!tpu.dma_semaphore, #tpu.memory_space<semaphore_mem>>) src(%dma_wait3A_122 : memref<576xi32, #tpu.memory_space<vmem>>) dst(%dma_wait3A_120 : memref<576xi32, #tpu.memory_space<hbm>>)
      %dma_wait3A_123 = arith.constant 0 : i32
      %dma_wait3A_124 = tpu.memref_slice %arg13[%dma_wait3A_123] : memref<7680xi32, #tpu.memory_space<vmem>> -> memref<576xi32, #tpu.memory_space<vmem>>
      %dma_wait3A_125 = arith.constant 999424 : i32
      %dma_wait3A_126 = tpu.memref_slice %arg8[%dma_wait3A_125] : memref<1000000xi32, #tpu.memory_space<hbm>> -> memref<576xi32, #tpu.memory_space<hbm>>
      %dma_wait3A_127 = arith.constant 999424 : i32
      %dma_wait3A_128 = tpu.memref_slice %arg8[%dma_wait3A_127] : memref<1000000xi32, #tpu.memory_space<hbm>> -> memref<576xi32, #tpu.memory_space<hbm>>
      %dma_wait3A_129 = arith.constant 0 : i32
      %dma_wait3A_130 = tpu.memref_slice %arg13[%dma_wait3A_129] : memref<7680xi32, #tpu.memory_space<vmem>> -> memref<576xi32, #tpu.memory_space<vmem>>
      tpu.wait_dma2 semaphore(%arg16 : memref<!tpu.dma_semaphore, #tpu.memory_space<semaphore_mem>>) src(%dma_wait3A_130 : memref<576xi32, #tpu.memory_space<vmem>>) dst(%dma_wait3A_128 : memref<576xi32, #tpu.memory_space<hbm>>)
      %dma_wait3A_131 = arith.constant 0 : i32
      %dma_wait3A_132 = tpu.memref_slice %arg14[%dma_wait3A_131] : memref<7680xf32, #tpu.memory_space<vmem>> -> memref<576xf32, #tpu.memory_space<vmem>>
      %dma_wait3A_133 = arith.constant 999424 : i32
      %dma_wait3A_134 = tpu.memref_slice %arg9[%dma_wait3A_133] : memref<1000000xf32, #tpu.memory_space<hbm>> -> memref<576xf32, #tpu.memory_space<hbm>>
      %dma_wait3A_135 = arith.constant 999424 : i32
      %dma_wait3A_136 = tpu.memref_slice %arg9[%dma_wait3A_135] : memref<1000000xf32, #tpu.memory_space<hbm>> -> memref<576xf32, #tpu.memory_space<hbm>>
      %dma_wait3A_137 = arith.constant 0 : i32
      %dma_wait3A_138 = tpu.memref_slice %arg14[%dma_wait3A_137] : memref<7680xf32, #tpu.memory_space<vmem>> -> memref<576xf32, #tpu.memory_space<vmem>>
      tpu.wait_dma2 semaphore(%arg17 : memref<!tpu.dma_semaphore, #tpu.memory_space<semaphore_mem>>) src(%dma_wait3A_138 : memref<576xf32, #tpu.memory_space<vmem>>) dst(%dma_wait3A_136 : memref<576xf32, #tpu.memory_space<hbm>>)
    } else {
    }
    return
  }
}

module attributes {stable_mosaic.version = 14 : i64} {
  func.func @_tc_body(%arg0: memref<64x16384xf32, #tpu.memory_space<any>>, %arg1: memref<64x1000000xf32, #tpu.memory_space<any>>, %arg2: memref<64x32768xf32, #tpu.memory_space<vmem>>, %arg3: memref<64x16384xf32, #tpu.memory_space<vmem>>, %arg4: memref<!tpu.dma_semaphore, #tpu.memory_space<semaphore_mem>>, %arg5: memref<!tpu.dma_semaphore, #tpu.memory_space<semaphore_mem>>) attributes {dimension_semantics = [], scalar_prefetch = 0 : i64, scratch_operands = 4 : i64, tpu.core_type = #tpu.core_type<tc>} {
    tpu.enqueue_dma source(%arg0 : memref<64x16384xf32, #tpu.memory_space<any>>) target(%arg3 : memref<64x16384xf32, #tpu.memory_space<vmem>>) target_semaphore(%arg4 : memref<!tpu.dma_semaphore, #tpu.memory_space<semaphore_mem>>)
    %broadcast_in_dim3A = arith.constant 0.000000e+00 : f32
    %broadcast_in_dim3A_0 = vector.broadcast %broadcast_in_dim3A : f32 to vector<64x32768xf32>
    %swap3A = arith.constant 0 : index
    %swap3A_1 = arith.constant 0 : index
    %swap3A_2 = vector.load %arg2[%swap3A, %swap3A_1] : memref<64x32768xf32, #tpu.memory_space<vmem>>, vector<64x32768xf32>
    tpu.vector_store %arg2[%swap3A, %swap3A_1], %broadcast_in_dim3A_0 {strides = array<i32>} : memref<64x32768xf32, #tpu.memory_space<vmem>>, vector<64x32768xf32>,
    tpu.wait_dma2 semaphore(%arg4 : memref<!tpu.dma_semaphore, #tpu.memory_space<semaphore_mem>>) src(%arg0 : memref<64x16384xf32, #tpu.memory_space<any>>) dst(%arg3 : memref<64x16384xf32, #tpu.memory_space<vmem>>)
    %dma_start3A = arith.constant 0 : i32
    %dma_start3A_3 = arith.constant 0 : i32
    %dma_start3A_4 = tpu.memref_slice %arg1[%dma_start3A, %dma_start3A_3] : memref<64x1000000xf32, #tpu.memory_space<any>> -> memref<64x16384xf32, #tpu.memory_space<any>>
    tpu.enqueue_dma source(%arg3 : memref<64x16384xf32, #tpu.memory_space<vmem>>) target(%dma_start3A_4 : memref<64x16384xf32, #tpu.memory_space<any>>) target_semaphore(%arg4 : memref<!tpu.dma_semaphore, #tpu.memory_space<semaphore_mem>>)
    %dma_start3A_5 = arith.constant 0 : i32
    %dma_start3A_6 = arith.constant 16384 : i32
    %dma_start3A_7 = tpu.memref_slice %arg1[%dma_start3A_5, %dma_start3A_6] : memref<64x1000000xf32, #tpu.memory_space<any>> -> memref<64x32768xf32, #tpu.memory_space<any>>
    tpu.enqueue_dma source(%arg2 : memref<64x32768xf32, #tpu.memory_space<vmem>>) target(%dma_start3A_7 : memref<64x32768xf32, #tpu.memory_space<any>>) target_semaphore(%arg5 : memref<!tpu.dma_semaphore, #tpu.memory_space<semaphore_mem>>)
    %dma_start3A_8 = arith.constant 0 : i32
    %dma_start3A_9 = arith.constant 49152 : i32
    %dma_start3A_10 = tpu.memref_slice %arg1[%dma_start3A_8, %dma_start3A_9] : memref<64x1000000xf32, #tpu.memory_space<any>> -> memref<64x32768xf32, #tpu.memory_space<any>>
    tpu.enqueue_dma source(%arg2 : memref<64x32768xf32, #tpu.memory_space<vmem>>) target(%dma_start3A_10 : memref<64x32768xf32, #tpu.memory_space<any>>) target_semaphore(%arg5 : memref<!tpu.dma_semaphore, #tpu.memory_space<semaphore_mem>>)
    %dma_start3A_11 = arith.constant 0 : i32
    %dma_start3A_12 = arith.constant 81920 : i32
    %dma_start3A_13 = tpu.memref_slice %arg1[%dma_start3A_11, %dma_start3A_12] : memref<64x1000000xf32, #tpu.memory_space<any>> -> memref<64x32768xf32, #tpu.memory_space<any>>
    tpu.enqueue_dma source(%arg2 : memref<64x32768xf32, #tpu.memory_space<vmem>>) target(%dma_start3A_13 : memref<64x32768xf32, #tpu.memory_space<any>>) target_semaphore(%arg5 : memref<!tpu.dma_semaphore, #tpu.memory_space<semaphore_mem>>)
    %dma_start3A_14 = arith.constant 0 : i32
    %dma_start3A_15 = arith.constant 114688 : i32
    %dma_start3A_16 = tpu.memref_slice %arg1[%dma_start3A_14, %dma_start3A_15] : memref<64x1000000xf32, #tpu.memory_space<any>> -> memref<64x32768xf32, #tpu.memory_space<any>>
    tpu.enqueue_dma source(%arg2 : memref<64x32768xf32, #tpu.memory_space<vmem>>) target(%dma_start3A_16 : memref<64x32768xf32, #tpu.memory_space<any>>) target_semaphore(%arg5 : memref<!tpu.dma_semaphore, #tpu.memory_space<semaphore_mem>>)
    %dma_start3A_17 = arith.constant 0 : i32
    %dma_start3A_18 = arith.constant 147456 : i32
    %dma_start3A_19 = tpu.memref_slice %arg1[%dma_start3A_17, %dma_start3A_18] : memref<64x1000000xf32, #tpu.memory_space<any>> -> memref<64x32768xf32, #tpu.memory_space<any>>
    tpu.enqueue_dma source(%arg2 : memref<64x32768xf32, #tpu.memory_space<vmem>>) target(%dma_start3A_19 : memref<64x32768xf32, #tpu.memory_space<any>>) target_semaphore(%arg5 : memref<!tpu.dma_semaphore, #tpu.memory_space<semaphore_mem>>)
    %dma_start3A_20 = arith.constant 0 : i32
    %dma_start3A_21 = arith.constant 180224 : i32
    %dma_start3A_22 = tpu.memref_slice %arg1[%dma_start3A_20, %dma_start3A_21] : memref<64x1000000xf32, #tpu.memory_space<any>> -> memref<64x32768xf32, #tpu.memory_space<any>>
    tpu.enqueue_dma source(%arg2 : memref<64x32768xf32, #tpu.memory_space<vmem>>) target(%dma_start3A_22 : memref<64x32768xf32, #tpu.memory_space<any>>) target_semaphore(%arg5 : memref<!tpu.dma_semaphore, #tpu.memory_space<semaphore_mem>>)
    %dma_start3A_23 = arith.constant 0 : i32
    %dma_start3A_24 = arith.constant 212992 : i32
    %dma_start3A_25 = tpu.memref_slice %arg1[%dma_start3A_23, %dma_start3A_24] : memref<64x1000000xf32, #tpu.memory_space<any>> -> memref<64x32768xf32, #tpu.memory_space<any>>
    tpu.enqueue_dma source(%arg2 : memref<64x32768xf32, #tpu.memory_space<vmem>>) target(%dma_start3A_25 : memref<64x32768xf32, #tpu.memory_space<any>>) target_semaphore(%arg5 : memref<!tpu.dma_semaphore, #tpu.memory_space<semaphore_mem>>)
    %dma_start3A_26 = arith.constant 0 : i32
    %dma_start3A_27 = arith.constant 245760 : i32
    %dma_start3A_28 = tpu.memref_slice %arg1[%dma_start3A_26, %dma_start3A_27] : memref<64x1000000xf32, #tpu.memory_space<any>> -> memref<64x32768xf32, #tpu.memory_space<any>>
    tpu.enqueue_dma source(%arg2 : memref<64x32768xf32, #tpu.memory_space<vmem>>) target(%dma_start3A_28 : memref<64x32768xf32, #tpu.memory_space<any>>) target_semaphore(%arg5 : memref<!tpu.dma_semaphore, #tpu.memory_space<semaphore_mem>>)
    %dma_start3A_29 = arith.constant 0 : i32
    %dma_start3A_30 = arith.constant 278528 : i32
    %dma_start3A_31 = tpu.memref_slice %arg1[%dma_start3A_29, %dma_start3A_30] : memref<64x1000000xf32, #tpu.memory_space<any>> -> memref<64x32768xf32, #tpu.memory_space<any>>
    tpu.enqueue_dma source(%arg2 : memref<64x32768xf32, #tpu.memory_space<vmem>>) target(%dma_start3A_31 : memref<64x32768xf32, #tpu.memory_space<any>>) target_semaphore(%arg5 : memref<!tpu.dma_semaphore, #tpu.memory_space<semaphore_mem>>)
    %dma_start3A_32 = arith.constant 0 : i32
    %dma_start3A_33 = arith.constant 311296 : i32
    %dma_start3A_34 = tpu.memref_slice %arg1[%dma_start3A_32, %dma_start3A_33] : memref<64x1000000xf32, #tpu.memory_space<any>> -> memref<64x32768xf32, #tpu.memory_space<any>>
    tpu.enqueue_dma source(%arg2 : memref<64x32768xf32, #tpu.memory_space<vmem>>) target(%dma_start3A_34 : memref<64x32768xf32, #tpu.memory_space<any>>) target_semaphore(%arg5 : memref<!tpu.dma_semaphore, #tpu.memory_space<semaphore_mem>>)
    %dma_start3A_35 = arith.constant 0 : i32
    %dma_start3A_36 = arith.constant 344064 : i32
    %dma_start3A_37 = tpu.memref_slice %arg1[%dma_start3A_35, %dma_start3A_36] : memref<64x1000000xf32, #tpu.memory_space<any>> -> memref<64x32768xf32, #tpu.memory_space<any>>
    tpu.enqueue_dma source(%arg2 : memref<64x32768xf32, #tpu.memory_space<vmem>>) target(%dma_start3A_37 : memref<64x32768xf32, #tpu.memory_space<any>>) target_semaphore(%arg5 : memref<!tpu.dma_semaphore, #tpu.memory_space<semaphore_mem>>)
    %dma_start3A_38 = arith.constant 0 : i32
    %dma_start3A_39 = arith.constant 376832 : i32
    %dma_start3A_40 = tpu.memref_slice %arg1[%dma_start3A_38, %dma_start3A_39] : memref<64x1000000xf32, #tpu.memory_space<any>> -> memref<64x32768xf32, #tpu.memory_space<any>>
    tpu.enqueue_dma source(%arg2 : memref<64x32768xf32, #tpu.memory_space<vmem>>) target(%dma_start3A_40 : memref<64x32768xf32, #tpu.memory_space<any>>) target_semaphore(%arg5 : memref<!tpu.dma_semaphore, #tpu.memory_space<semaphore_mem>>)
    %dma_start3A_41 = arith.constant 0 : i32
    %dma_start3A_42 = arith.constant 409600 : i32
    %dma_start3A_43 = tpu.memref_slice %arg1[%dma_start3A_41, %dma_start3A_42] : memref<64x1000000xf32, #tpu.memory_space<any>> -> memref<64x32768xf32, #tpu.memory_space<any>>
    tpu.enqueue_dma source(%arg2 : memref<64x32768xf32, #tpu.memory_space<vmem>>) target(%dma_start3A_43 : memref<64x32768xf32, #tpu.memory_space<any>>) target_semaphore(%arg5 : memref<!tpu.dma_semaphore, #tpu.memory_space<semaphore_mem>>)
    %dma_start3A_44 = arith.constant 0 : i32
    %dma_start3A_45 = arith.constant 442368 : i32
    %dma_start3A_46 = tpu.memref_slice %arg1[%dma_start3A_44, %dma_start3A_45] : memref<64x1000000xf32, #tpu.memory_space<any>> -> memref<64x32768xf32, #tpu.memory_space<any>>
    tpu.enqueue_dma source(%arg2 : memref<64x32768xf32, #tpu.memory_space<vmem>>) target(%dma_start3A_46 : memref<64x32768xf32, #tpu.memory_space<any>>) target_semaphore(%arg5 : memref<!tpu.dma_semaphore, #tpu.memory_space<semaphore_mem>>)
    %dma_start3A_47 = arith.constant 0 : i32
    %dma_start3A_48 = arith.constant 475136 : i32
    %dma_start3A_49 = tpu.memref_slice %arg1[%dma_start3A_47, %dma_start3A_48] : memref<64x1000000xf32, #tpu.memory_space<any>> -> memref<64x32768xf32, #tpu.memory_space<any>>
    tpu.enqueue_dma source(%arg2 : memref<64x32768xf32, #tpu.memory_space<vmem>>) target(%dma_start3A_49 : memref<64x32768xf32, #tpu.memory_space<any>>) target_semaphore(%arg5 : memref<!tpu.dma_semaphore, #tpu.memory_space<semaphore_mem>>)
    %dma_start3A_50 = arith.constant 0 : i32
    %dma_start3A_51 = arith.constant 507904 : i32
    %dma_start3A_52 = tpu.memref_slice %arg1[%dma_start3A_50, %dma_start3A_51] : memref<64x1000000xf32, #tpu.memory_space<any>> -> memref<64x32768xf32, #tpu.memory_space<any>>
    tpu.enqueue_dma source(%arg2 : memref<64x32768xf32, #tpu.memory_space<vmem>>) target(%dma_start3A_52 : memref<64x32768xf32, #tpu.memory_space<any>>) target_semaphore(%arg5 : memref<!tpu.dma_semaphore, #tpu.memory_space<semaphore_mem>>)
    %dma_start3A_53 = arith.constant 0 : i32
    %dma_start3A_54 = arith.constant 540672 : i32
    %dma_start3A_55 = tpu.memref_slice %arg1[%dma_start3A_53, %dma_start3A_54] : memref<64x1000000xf32, #tpu.memory_space<any>> -> memref<64x32768xf32, #tpu.memory_space<any>>
    tpu.enqueue_dma source(%arg2 : memref<64x32768xf32, #tpu.memory_space<vmem>>) target(%dma_start3A_55 : memref<64x32768xf32, #tpu.memory_space<any>>) target_semaphore(%arg5 : memref<!tpu.dma_semaphore, #tpu.memory_space<semaphore_mem>>)
    %dma_start3A_56 = arith.constant 0 : i32
    %dma_start3A_57 = arith.constant 573440 : i32
    %dma_start3A_58 = tpu.memref_slice %arg1[%dma_start3A_56, %dma_start3A_57] : memref<64x1000000xf32, #tpu.memory_space<any>> -> memref<64x32768xf32, #tpu.memory_space<any>>
    tpu.enqueue_dma source(%arg2 : memref<64x32768xf32, #tpu.memory_space<vmem>>) target(%dma_start3A_58 : memref<64x32768xf32, #tpu.memory_space<any>>) target_semaphore(%arg5 : memref<!tpu.dma_semaphore, #tpu.memory_space<semaphore_mem>>)
    %dma_start3A_59 = arith.constant 0 : i32
    %dma_start3A_60 = arith.constant 606208 : i32
    %dma_start3A_61 = tpu.memref_slice %arg1[%dma_start3A_59, %dma_start3A_60] : memref<64x1000000xf32, #tpu.memory_space<any>> -> memref<64x32768xf32, #tpu.memory_space<any>>
    tpu.enqueue_dma source(%arg2 : memref<64x32768xf32, #tpu.memory_space<vmem>>) target(%dma_start3A_61 : memref<64x32768xf32, #tpu.memory_space<any>>) target_semaphore(%arg5 : memref<!tpu.dma_semaphore, #tpu.memory_space<semaphore_mem>>)
    %dma_start3A_62 = arith.constant 0 : i32
    %dma_start3A_63 = arith.constant 638976 : i32
    %dma_start3A_64 = tpu.memref_slice %arg1[%dma_start3A_62, %dma_start3A_63] : memref<64x1000000xf32, #tpu.memory_space<any>> -> memref<64x32768xf32, #tpu.memory_space<any>>
    tpu.enqueue_dma source(%arg2 : memref<64x32768xf32, #tpu.memory_space<vmem>>) target(%dma_start3A_64 : memref<64x32768xf32, #tpu.memory_space<any>>) target_semaphore(%arg5 : memref<!tpu.dma_semaphore, #tpu.memory_space<semaphore_mem>>)
    %dma_start3A_65 = arith.constant 0 : i32
    %dma_start3A_66 = arith.constant 671744 : i32
    %dma_start3A_67 = tpu.memref_slice %arg1[%dma_start3A_65, %dma_start3A_66] : memref<64x1000000xf32, #tpu.memory_space<any>> -> memref<64x32768xf32, #tpu.memory_space<any>>
    tpu.enqueue_dma source(%arg2 : memref<64x32768xf32, #tpu.memory_space<vmem>>) target(%dma_start3A_67 : memref<64x32768xf32, #tpu.memory_space<any>>) target_semaphore(%arg5 : memref<!tpu.dma_semaphore, #tpu.memory_space<semaphore_mem>>)
    %dma_start3A_68 = arith.constant 0 : i32
    %dma_start3A_69 = arith.constant 704512 : i32
    %dma_start3A_70 = tpu.memref_slice %arg1[%dma_start3A_68, %dma_start3A_69] : memref<64x1000000xf32, #tpu.memory_space<any>> -> memref<64x32768xf32, #tpu.memory_space<any>>
    tpu.enqueue_dma source(%arg2 : memref<64x32768xf32, #tpu.memory_space<vmem>>) target(%dma_start3A_70 : memref<64x32768xf32, #tpu.memory_space<any>>) target_semaphore(%arg5 : memref<!tpu.dma_semaphore, #tpu.memory_space<semaphore_mem>>)
    %dma_start3A_71 = arith.constant 0 : i32
    %dma_start3A_72 = arith.constant 737280 : i32
    %dma_start3A_73 = tpu.memref_slice %arg1[%dma_start3A_71, %dma_start3A_72] : memref<64x1000000xf32, #tpu.memory_space<any>> -> memref<64x32768xf32, #tpu.memory_space<any>>
    tpu.enqueue_dma source(%arg2 : memref<64x32768xf32, #tpu.memory_space<vmem>>) target(%dma_start3A_73 : memref<64x32768xf32, #tpu.memory_space<any>>) target_semaphore(%arg5 : memref<!tpu.dma_semaphore, #tpu.memory_space<semaphore_mem>>)
    %dma_start3A_74 = arith.constant 0 : i32
    %dma_start3A_75 = arith.constant 770048 : i32
    %dma_start3A_76 = tpu.memref_slice %arg1[%dma_start3A_74, %dma_start3A_75] : memref<64x1000000xf32, #tpu.memory_space<any>> -> memref<64x32768xf32, #tpu.memory_space<any>>
    tpu.enqueue_dma source(%arg2 : memref<64x32768xf32, #tpu.memory_space<vmem>>) target(%dma_start3A_76 : memref<64x32768xf32, #tpu.memory_space<any>>) target_semaphore(%arg5 : memref<!tpu.dma_semaphore, #tpu.memory_space<semaphore_mem>>)
    %dma_start3A_77 = arith.constant 0 : i32
    %dma_start3A_78 = arith.constant 802816 : i32
    %dma_start3A_79 = tpu.memref_slice %arg1[%dma_start3A_77, %dma_start3A_78] : memref<64x1000000xf32, #tpu.memory_space<any>> -> memref<64x32768xf32, #tpu.memory_space<any>>
    tpu.enqueue_dma source(%arg2 : memref<64x32768xf32, #tpu.memory_space<vmem>>) target(%dma_start3A_79 : memref<64x32768xf32, #tpu.memory_space<any>>) target_semaphore(%arg5 : memref<!tpu.dma_semaphore, #tpu.memory_space<semaphore_mem>>)
    %dma_start3A_80 = arith.constant 0 : i32
    %dma_start3A_81 = arith.constant 835584 : i32
    %dma_start3A_82 = tpu.memref_slice %arg1[%dma_start3A_80, %dma_start3A_81] : memref<64x1000000xf32, #tpu.memory_space<any>> -> memref<64x32768xf32, #tpu.memory_space<any>>
    tpu.enqueue_dma source(%arg2 : memref<64x32768xf32, #tpu.memory_space<vmem>>) target(%dma_start3A_82 : memref<64x32768xf32, #tpu.memory_space<any>>) target_semaphore(%arg5 : memref<!tpu.dma_semaphore, #tpu.memory_space<semaphore_mem>>)
    %dma_start3A_83 = arith.constant 0 : i32
    %dma_start3A_84 = arith.constant 868352 : i32
    %dma_start3A_85 = tpu.memref_slice %arg1[%dma_start3A_83, %dma_start3A_84] : memref<64x1000000xf32, #tpu.memory_space<any>> -> memref<64x32768xf32, #tpu.memory_space<any>>
    tpu.enqueue_dma source(%arg2 : memref<64x32768xf32, #tpu.memory_space<vmem>>) target(%dma_start3A_85 : memref<64x32768xf32, #tpu.memory_space<any>>) target_semaphore(%arg5 : memref<!tpu.dma_semaphore, #tpu.memory_space<semaphore_mem>>)
    %dma_start3A_86 = arith.constant 0 : i32
    %dma_start3A_87 = arith.constant 901120 : i32
    %dma_start3A_88 = tpu.memref_slice %arg1[%dma_start3A_86, %dma_start3A_87] : memref<64x1000000xf32, #tpu.memory_space<any>> -> memref<64x32768xf32, #tpu.memory_space<any>>
    tpu.enqueue_dma source(%arg2 : memref<64x32768xf32, #tpu.memory_space<vmem>>) target(%dma_start3A_88 : memref<64x32768xf32, #tpu.memory_space<any>>) target_semaphore(%arg5 : memref<!tpu.dma_semaphore, #tpu.memory_space<semaphore_mem>>)
    %dma_start3A_89 = arith.constant 0 : i32
    %dma_start3A_90 = arith.constant 933888 : i32
    %dma_start3A_91 = tpu.memref_slice %arg1[%dma_start3A_89, %dma_start3A_90] : memref<64x1000000xf32, #tpu.memory_space<any>> -> memref<64x32768xf32, #tpu.memory_space<any>>
    tpu.enqueue_dma source(%arg2 : memref<64x32768xf32, #tpu.memory_space<vmem>>) target(%dma_start3A_91 : memref<64x32768xf32, #tpu.memory_space<any>>) target_semaphore(%arg5 : memref<!tpu.dma_semaphore, #tpu.memory_space<semaphore_mem>>)
    %dma_start3A_92 = arith.constant 0 : i32
    %dma_start3A_93 = arith.constant 966656 : i32
    %dma_start3A_94 = tpu.memref_slice %arg1[%dma_start3A_92, %dma_start3A_93] : memref<64x1000000xf32, #tpu.memory_space<any>> -> memref<64x32768xf32, #tpu.memory_space<any>>
    tpu.enqueue_dma source(%arg2 : memref<64x32768xf32, #tpu.memory_space<vmem>>) target(%dma_start3A_94 : memref<64x32768xf32, #tpu.memory_space<any>>) target_semaphore(%arg5 : memref<!tpu.dma_semaphore, #tpu.memory_space<semaphore_mem>>)
    %dma_wait3A = arith.constant 0 : i32
    %dma_wait3A_95 = arith.constant 0 : i32
    %dma_wait3A_96 = tpu.memref_slice %arg1[%dma_wait3A, %dma_wait3A_95] : memref<64x1000000xf32, #tpu.memory_space<any>> -> memref<64x16384xf32, #tpu.memory_space<any>>
    tpu.wait_dma2 semaphore(%arg4 : memref<!tpu.dma_semaphore, #tpu.memory_space<semaphore_mem>>) src(%arg3 : memref<64x16384xf32, #tpu.memory_space<vmem>>) dst(%dma_wait3A_96 : memref<64x16384xf32, #tpu.memory_space<any>>)
    %dma_wait3A_97 = arith.constant 0 : i32
    %dma_wait3A_98 = arith.constant 16384 : i32
    %dma_wait3A_99 = tpu.memref_slice %arg1[%dma_wait3A_97, %dma_wait3A_98] : memref<64x1000000xf32, #tpu.memory_space<any>> -> memref<64x32768xf32, #tpu.memory_space<any>>
    tpu.wait_dma2 semaphore(%arg5 : memref<!tpu.dma_semaphore, #tpu.memory_space<semaphore_mem>>) src(%arg2 : memref<64x32768xf32, #tpu.memory_space<vmem>>) dst(%dma_wait3A_99 : memref<64x32768xf32, #tpu.memory_space<any>>)
    %dma_wait3A_100 = arith.constant 0 : i32
    %dma_wait3A_101 = arith.constant 49152 : i32
    %dma_wait3A_102 = tpu.memref_slice %arg1[%dma_wait3A_100, %dma_wait3A_101] : memref<64x1000000xf32, #tpu.memory_space<any>> -> memref<64x32768xf32, #tpu.memory_space<any>>
    tpu.wait_dma2 semaphore(%arg5 : memref<!tpu.dma_semaphore, #tpu.memory_space<semaphore_mem>>) src(%arg2 : memref<64x32768xf32, #tpu.memory_space<vmem>>) dst(%dma_wait3A_102 : memref<64x32768xf32, #tpu.memory_space<any>>)
    %dma_wait3A_103 = arith.constant 0 : i32
    %dma_wait3A_104 = arith.constant 81920 : i32
    %dma_wait3A_105 = tpu.memref_slice %arg1[%dma_wait3A_103, %dma_wait3A_104] : memref<64x1000000xf32, #tpu.memory_space<any>> -> memref<64x32768xf32, #tpu.memory_space<any>>
    tpu.wait_dma2 semaphore(%arg5 : memref<!tpu.dma_semaphore, #tpu.memory_space<semaphore_mem>>) src(%arg2 : memref<64x32768xf32, #tpu.memory_space<vmem>>) dst(%dma_wait3A_105 : memref<64x32768xf32, #tpu.memory_space<any>>)
    %dma_wait3A_106 = arith.constant 0 : i32
    %dma_wait3A_107 = arith.constant 114688 : i32
    %dma_wait3A_108 = tpu.memref_slice %arg1[%dma_wait3A_106, %dma_wait3A_107] : memref<64x1000000xf32, #tpu.memory_space<any>> -> memref<64x32768xf32, #tpu.memory_space<any>>
    tpu.wait_dma2 semaphore(%arg5 : memref<!tpu.dma_semaphore, #tpu.memory_space<semaphore_mem>>) src(%arg2 : memref<64x32768xf32, #tpu.memory_space<vmem>>) dst(%dma_wait3A_108 : memref<64x32768xf32, #tpu.memory_space<any>>)
    %dma_wait3A_109 = arith.constant 0 : i32
    %dma_wait3A_110 = arith.constant 147456 : i32
    %dma_wait3A_111 = tpu.memref_slice %arg1[%dma_wait3A_109, %dma_wait3A_110] : memref<64x1000000xf32, #tpu.memory_space<any>> -> memref<64x32768xf32, #tpu.memory_space<any>>
    tpu.wait_dma2 semaphore(%arg5 : memref<!tpu.dma_semaphore, #tpu.memory_space<semaphore_mem>>) src(%arg2 : memref<64x32768xf32, #tpu.memory_space<vmem>>) dst(%dma_wait3A_111 : memref<64x32768xf32, #tpu.memory_space<any>>)
    %dma_wait3A_112 = arith.constant 0 : i32
    %dma_wait3A_113 = arith.constant 180224 : i32
    %dma_wait3A_114 = tpu.memref_slice %arg1[%dma_wait3A_112, %dma_wait3A_113] : memref<64x1000000xf32, #tpu.memory_space<any>> -> memref<64x32768xf32, #tpu.memory_space<any>>
    tpu.wait_dma2 semaphore(%arg5 : memref<!tpu.dma_semaphore, #tpu.memory_space<semaphore_mem>>) src(%arg2 : memref<64x32768xf32, #tpu.memory_space<vmem>>) dst(%dma_wait3A_114 : memref<64x32768xf32, #tpu.memory_space<any>>)
    %dma_wait3A_115 = arith.constant 0 : i32
    %dma_wait3A_116 = arith.constant 212992 : i32
    %dma_wait3A_117 = tpu.memref_slice %arg1[%dma_wait3A_115, %dma_wait3A_116] : memref<64x1000000xf32, #tpu.memory_space<any>> -> memref<64x32768xf32, #tpu.memory_space<any>>
    tpu.wait_dma2 semaphore(%arg5 : memref<!tpu.dma_semaphore, #tpu.memory_space<semaphore_mem>>) src(%arg2 : memref<64x32768xf32, #tpu.memory_space<vmem>>) dst(%dma_wait3A_117 : memref<64x32768xf32, #tpu.memory_space<any>>)
    %dma_wait3A_118 = arith.constant 0 : i32
    %dma_wait3A_119 = arith.constant 245760 : i32
    %dma_wait3A_120 = tpu.memref_slice %arg1[%dma_wait3A_118, %dma_wait3A_119] : memref<64x1000000xf32, #tpu.memory_space<any>> -> memref<64x32768xf32, #tpu.memory_space<any>>
    tpu.wait_dma2 semaphore(%arg5 : memref<!tpu.dma_semaphore, #tpu.memory_space<semaphore_mem>>) src(%arg2 : memref<64x32768xf32, #tpu.memory_space<vmem>>) dst(%dma_wait3A_120 : memref<64x32768xf32, #tpu.memory_space<any>>)
    %dma_wait3A_121 = arith.constant 0 : i32
    %dma_wait3A_122 = arith.constant 278528 : i32
    %dma_wait3A_123 = tpu.memref_slice %arg1[%dma_wait3A_121, %dma_wait3A_122] : memref<64x1000000xf32, #tpu.memory_space<any>> -> memref<64x32768xf32, #tpu.memory_space<any>>
    tpu.wait_dma2 semaphore(%arg5 : memref<!tpu.dma_semaphore, #tpu.memory_space<semaphore_mem>>) src(%arg2 : memref<64x32768xf32, #tpu.memory_space<vmem>>) dst(%dma_wait3A_123 : memref<64x32768xf32, #tpu.memory_space<any>>)
    %dma_wait3A_124 = arith.constant 0 : i32
    %dma_wait3A_125 = arith.constant 311296 : i32
    %dma_wait3A_126 = tpu.memref_slice %arg1[%dma_wait3A_124, %dma_wait3A_125] : memref<64x1000000xf32, #tpu.memory_space<any>> -> memref<64x32768xf32, #tpu.memory_space<any>>
    tpu.wait_dma2 semaphore(%arg5 : memref<!tpu.dma_semaphore, #tpu.memory_space<semaphore_mem>>) src(%arg2 : memref<64x32768xf32, #tpu.memory_space<vmem>>) dst(%dma_wait3A_126 : memref<64x32768xf32, #tpu.memory_space<any>>)
    %dma_wait3A_127 = arith.constant 0 : i32
    %dma_wait3A_128 = arith.constant 344064 : i32
    %dma_wait3A_129 = tpu.memref_slice %arg1[%dma_wait3A_127, %dma_wait3A_128] : memref<64x1000000xf32, #tpu.memory_space<any>> -> memref<64x32768xf32, #tpu.memory_space<any>>
    tpu.wait_dma2 semaphore(%arg5 : memref<!tpu.dma_semaphore, #tpu.memory_space<semaphore_mem>>) src(%arg2 : memref<64x32768xf32, #tpu.memory_space<vmem>>) dst(%dma_wait3A_129 : memref<64x32768xf32, #tpu.memory_space<any>>)
    %dma_wait3A_130 = arith.constant 0 : i32
    %dma_wait3A_131 = arith.constant 376832 : i32
    %dma_wait3A_132 = tpu.memref_slice %arg1[%dma_wait3A_130, %dma_wait3A_131] : memref<64x1000000xf32, #tpu.memory_space<any>> -> memref<64x32768xf32, #tpu.memory_space<any>>
    tpu.wait_dma2 semaphore(%arg5 : memref<!tpu.dma_semaphore, #tpu.memory_space<semaphore_mem>>) src(%arg2 : memref<64x32768xf32, #tpu.memory_space<vmem>>) dst(%dma_wait3A_132 : memref<64x32768xf32, #tpu.memory_space<any>>)
    %dma_wait3A_133 = arith.constant 0 : i32
    %dma_wait3A_134 = arith.constant 409600 : i32
    %dma_wait3A_135 = tpu.memref_slice %arg1[%dma_wait3A_133, %dma_wait3A_134] : memref<64x1000000xf32, #tpu.memory_space<any>> -> memref<64x32768xf32, #tpu.memory_space<any>>
    tpu.wait_dma2 semaphore(%arg5 : memref<!tpu.dma_semaphore, #tpu.memory_space<semaphore_mem>>) src(%arg2 : memref<64x32768xf32, #tpu.memory_space<vmem>>) dst(%dma_wait3A_135 : memref<64x32768xf32, #tpu.memory_space<any>>)
    %dma_wait3A_136 = arith.constant 0 : i32
    %dma_wait3A_137 = arith.constant 442368 : i32
    %dma_wait3A_138 = tpu.memref_slice %arg1[%dma_wait3A_136, %dma_wait3A_137] : memref<64x1000000xf32, #tpu.memory_space<any>> -> memref<64x32768xf32, #tpu.memory_space<any>>
    tpu.wait_dma2 semaphore(%arg5 : memref<!tpu.dma_semaphore, #tpu.memory_space<semaphore_mem>>) src(%arg2 : memref<64x32768xf32, #tpu.memory_space<vmem>>) dst(%dma_wait3A_138 : memref<64x32768xf32, #tpu.memory_space<any>>)
    %dma_wait3A_139 = arith.constant 0 : i32
    %dma_wait3A_140 = arith.constant 475136 : i32
    %dma_wait3A_141 = tpu.memref_slice %arg1[%dma_wait3A_139, %dma_wait3A_140] : memref<64x1000000xf32, #tpu.memory_space<any>> -> memref<64x32768xf32, #tpu.memory_space<any>>
    tpu.wait_dma2 semaphore(%arg5 : memref<!tpu.dma_semaphore, #tpu.memory_space<semaphore_mem>>) src(%arg2 : memref<64x32768xf32, #tpu.memory_space<vmem>>) dst(%dma_wait3A_141 : memref<64x32768xf32, #tpu.memory_space<any>>)
    %dma_wait3A_142 = arith.constant 0 : i32
    %dma_wait3A_143 = arith.constant 507904 : i32
    %dma_wait3A_144 = tpu.memref_slice %arg1[%dma_wait3A_142, %dma_wait3A_143] : memref<64x1000000xf32, #tpu.memory_space<any>> -> memref<64x32768xf32, #tpu.memory_space<any>>
    tpu.wait_dma2 semaphore(%arg5 : memref<!tpu.dma_semaphore, #tpu.memory_space<semaphore_mem>>) src(%arg2 : memref<64x32768xf32, #tpu.memory_space<vmem>>) dst(%dma_wait3A_144 : memref<64x32768xf32, #tpu.memory_space<any>>)
    %dma_wait3A_145 = arith.constant 0 : i32
    %dma_wait3A_146 = arith.constant 540672 : i32
    %dma_wait3A_147 = tpu.memref_slice %arg1[%dma_wait3A_145, %dma_wait3A_146] : memref<64x1000000xf32, #tpu.memory_space<any>> -> memref<64x32768xf32, #tpu.memory_space<any>>
    tpu.wait_dma2 semaphore(%arg5 : memref<!tpu.dma_semaphore, #tpu.memory_space<semaphore_mem>>) src(%arg2 : memref<64x32768xf32, #tpu.memory_space<vmem>>) dst(%dma_wait3A_147 : memref<64x32768xf32, #tpu.memory_space<any>>)
    %dma_wait3A_148 = arith.constant 0 : i32
    %dma_wait3A_149 = arith.constant 573440 : i32
    %dma_wait3A_150 = tpu.memref_slice %arg1[%dma_wait3A_148, %dma_wait3A_149] : memref<64x1000000xf32, #tpu.memory_space<any>> -> memref<64x32768xf32, #tpu.memory_space<any>>
    tpu.wait_dma2 semaphore(%arg5 : memref<!tpu.dma_semaphore, #tpu.memory_space<semaphore_mem>>) src(%arg2 : memref<64x32768xf32, #tpu.memory_space<vmem>>) dst(%dma_wait3A_150 : memref<64x32768xf32, #tpu.memory_space<any>>)
    %dma_wait3A_151 = arith.constant 0 : i32
    %dma_wait3A_152 = arith.constant 606208 : i32
    %dma_wait3A_153 = tpu.memref_slice %arg1[%dma_wait3A_151, %dma_wait3A_152] : memref<64x1000000xf32, #tpu.memory_space<any>> -> memref<64x32768xf32, #tpu.memory_space<any>>
    tpu.wait_dma2 semaphore(%arg5 : memref<!tpu.dma_semaphore, #tpu.memory_space<semaphore_mem>>) src(%arg2 : memref<64x32768xf32, #tpu.memory_space<vmem>>) dst(%dma_wait3A_153 : memref<64x32768xf32, #tpu.memory_space<any>>)
    %dma_wait3A_154 = arith.constant 0 : i32
    %dma_wait3A_155 = arith.constant 638976 : i32
    %dma_wait3A_156 = tpu.memref_slice %arg1[%dma_wait3A_154, %dma_wait3A_155] : memref<64x1000000xf32, #tpu.memory_space<any>> -> memref<64x32768xf32, #tpu.memory_space<any>>
    tpu.wait_dma2 semaphore(%arg5 : memref<!tpu.dma_semaphore, #tpu.memory_space<semaphore_mem>>) src(%arg2 : memref<64x32768xf32, #tpu.memory_space<vmem>>) dst(%dma_wait3A_156 : memref<64x32768xf32, #tpu.memory_space<any>>)
    %dma_wait3A_157 = arith.constant 0 : i32
    %dma_wait3A_158 = arith.constant 671744 : i32
    %dma_wait3A_159 = tpu.memref_slice %arg1[%dma_wait3A_157, %dma_wait3A_158] : memref<64x1000000xf32, #tpu.memory_space<any>> -> memref<64x32768xf32, #tpu.memory_space<any>>
    tpu.wait_dma2 semaphore(%arg5 : memref<!tpu.dma_semaphore, #tpu.memory_space<semaphore_mem>>) src(%arg2 : memref<64x32768xf32, #tpu.memory_space<vmem>>) dst(%dma_wait3A_159 : memref<64x32768xf32, #tpu.memory_space<any>>)
    %dma_wait3A_160 = arith.constant 0 : i32
    %dma_wait3A_161 = arith.constant 704512 : i32
    %dma_wait3A_162 = tpu.memref_slice %arg1[%dma_wait3A_160, %dma_wait3A_161] : memref<64x1000000xf32, #tpu.memory_space<any>> -> memref<64x32768xf32, #tpu.memory_space<any>>
    tpu.wait_dma2 semaphore(%arg5 : memref<!tpu.dma_semaphore, #tpu.memory_space<semaphore_mem>>) src(%arg2 : memref<64x32768xf32, #tpu.memory_space<vmem>>) dst(%dma_wait3A_162 : memref<64x32768xf32, #tpu.memory_space<any>>)
    %dma_wait3A_163 = arith.constant 0 : i32
    %dma_wait3A_164 = arith.constant 737280 : i32
    %dma_wait3A_165 = tpu.memref_slice %arg1[%dma_wait3A_163, %dma_wait3A_164] : memref<64x1000000xf32, #tpu.memory_space<any>> -> memref<64x32768xf32, #tpu.memory_space<any>>
    tpu.wait_dma2 semaphore(%arg5 : memref<!tpu.dma_semaphore, #tpu.memory_space<semaphore_mem>>) src(%arg2 : memref<64x32768xf32, #tpu.memory_space<vmem>>) dst(%dma_wait3A_165 : memref<64x32768xf32, #tpu.memory_space<any>>)
    %dma_wait3A_166 = arith.constant 0 : i32
    %dma_wait3A_167 = arith.constant 770048 : i32
    %dma_wait3A_168 = tpu.memref_slice %arg1[%dma_wait3A_166, %dma_wait3A_167] : memref<64x1000000xf32, #tpu.memory_space<any>> -> memref<64x32768xf32, #tpu.memory_space<any>>
    tpu.wait_dma2 semaphore(%arg5 : memref<!tpu.dma_semaphore, #tpu.memory_space<semaphore_mem>>) src(%arg2 : memref<64x32768xf32, #tpu.memory_space<vmem>>) dst(%dma_wait3A_168 : memref<64x32768xf32, #tpu.memory_space<any>>)
    %dma_wait3A_169 = arith.constant 0 : i32
    %dma_wait3A_170 = arith.constant 802816 : i32
    %dma_wait3A_171 = tpu.memref_slice %arg1[%dma_wait3A_169, %dma_wait3A_170] : memref<64x1000000xf32, #tpu.memory_space<any>> -> memref<64x32768xf32, #tpu.memory_space<any>>
    tpu.wait_dma2 semaphore(%arg5 : memref<!tpu.dma_semaphore, #tpu.memory_space<semaphore_mem>>) src(%arg2 : memref<64x32768xf32, #tpu.memory_space<vmem>>) dst(%dma_wait3A_171 : memref<64x32768xf32, #tpu.memory_space<any>>)
    %dma_wait3A_172 = arith.constant 0 : i32
    %dma_wait3A_173 = arith.constant 835584 : i32
    %dma_wait3A_174 = tpu.memref_slice %arg1[%dma_wait3A_172, %dma_wait3A_173] : memref<64x1000000xf32, #tpu.memory_space<any>> -> memref<64x32768xf32, #tpu.memory_space<any>>
    tpu.wait_dma2 semaphore(%arg5 : memref<!tpu.dma_semaphore, #tpu.memory_space<semaphore_mem>>) src(%arg2 : memref<64x32768xf32, #tpu.memory_space<vmem>>) dst(%dma_wait3A_174 : memref<64x32768xf32, #tpu.memory_space<any>>)
    %dma_wait3A_175 = arith.constant 0 : i32
    %dma_wait3A_176 = arith.constant 868352 : i32
    %dma_wait3A_177 = tpu.memref_slice %arg1[%dma_wait3A_175, %dma_wait3A_176] : memref<64x1000000xf32, #tpu.memory_space<any>> -> memref<64x32768xf32, #tpu.memory_space<any>>
    tpu.wait_dma2 semaphore(%arg5 : memref<!tpu.dma_semaphore, #tpu.memory_space<semaphore_mem>>) src(%arg2 : memref<64x32768xf32, #tpu.memory_space<vmem>>) dst(%dma_wait3A_177 : memref<64x32768xf32, #tpu.memory_space<any>>)
    %dma_wait3A_178 = arith.constant 0 : i32
    %dma_wait3A_179 = arith.constant 901120 : i32
    %dma_wait3A_180 = tpu.memref_slice %arg1[%dma_wait3A_178, %dma_wait3A_179] : memref<64x1000000xf32, #tpu.memory_space<any>> -> memref<64x32768xf32, #tpu.memory_space<any>>
    tpu.wait_dma2 semaphore(%arg5 : memref<!tpu.dma_semaphore, #tpu.memory_space<semaphore_mem>>) src(%arg2 : memref<64x32768xf32, #tpu.memory_space<vmem>>) dst(%dma_wait3A_180 : memref<64x32768xf32, #tpu.memory_space<any>>)
    %dma_wait3A_181 = arith.constant 0 : i32
    %dma_wait3A_182 = arith.constant 933888 : i32
    %dma_wait3A_183 = tpu.memref_slice %arg1[%dma_wait3A_181, %dma_wait3A_182] : memref<64x1000000xf32, #tpu.memory_space<any>> -> memref<64x32768xf32, #tpu.memory_space<any>>
    tpu.wait_dma2 semaphore(%arg5 : memref<!tpu.dma_semaphore, #tpu.memory_space<semaphore_mem>>) src(%arg2 : memref<64x32768xf32, #tpu.memory_space<vmem>>) dst(%dma_wait3A_183 : memref<64x32768xf32, #tpu.memory_space<any>>)
    %dma_wait3A_184 = arith.constant 0 : i32
    %dma_wait3A_185 = arith.constant 966656 : i32
    %dma_wait3A_186 = tpu.memref_slice %arg1[%dma_wait3A_184, %dma_wait3A_185] : memref<64x1000000xf32, #tpu.memory_space<any>> -> memref<64x32768xf32, #tpu.memory_space<any>>
    tpu.wait_dma2 semaphore(%arg5 : memref<!tpu.dma_semaphore, #tpu.memory_space<semaphore_mem>>) src(%arg2 : memref<64x32768xf32, #tpu.memory_space<vmem>>) dst(%dma_wait3A_186 : memref<64x32768xf32, #tpu.memory_space<any>>)
    return
  }
}

module attributes {stable_mosaic.version = 14 : i64} {
  func.func @_tc_rem_body(%arg0: i32, %arg1: memref<64x1000000xf32, #tpu.memory_space<any>>, %arg2: memref<64x128xf32, #tpu.memory_space<vmem>>) attributes {dimension_semantics = [#tpu.dimension_semantics<arbitrary>], iteration_bounds = array<i64: 5>, scalar_prefetch = 0 : i64, scratch_operands = 0 : i64, tpu.core_type = #tpu.core_type<tc>, window_params = [{}, {transform_indices = @transform_1, window_bounds = array<i64: 64, 128>}]} {
    %broadcast_in_dim3A = arith.constant 0.000000e+00 : f32
    %broadcast_in_dim3A_0 = vector.broadcast %broadcast_in_dim3A : f32 to vector<64x128xf32>
    %swap3A = arith.constant 0 : index
    %swap3A_1 = arith.constant 0 : index
    %swap3A_2 = vector.load %arg2[%swap3A, %swap3A_1] : memref<64x128xf32, #tpu.memory_space<vmem>>, vector<64x128xf32>
    tpu.vector_store %arg2[%swap3A, %swap3A_1], %broadcast_in_dim3A_0 {strides = array<i32>} : memref<64x128xf32, #tpu.memory_space<vmem>>, vector<64x128xf32>,
    return
  }
  func.func @transform_1(%arg0: i32) -> (i32, i32) {
    %add3A = arith.constant 7808 : i32
    %add3A_0 = arith.addi %add3A, %arg0 : i32
    %c0_i32 = arith.constant 0 : i32
    %c0_i32_1 = arith.constant 0 : i32
    return %c0_i32, %add3A_0 : i32, i32
  }
}

</mosaic_0001>

<sc_bundles>
// kernel: kernel.5.cloned.1.call-start
scs
__scs_entry_jumppad:
0x0: {  	(pc) =	sbr.rel $0x88, $3  }
0x1: {  	(tag) =	ssettag $0x0;
	lr =	simm.s32 $0x1  }
0x2: {  	[smem:$0x3F9D] =	sst lr;
	_ =	strace $0xD0000000  }
0x3: {  	_ = 	snop  }
0x4: {  	_ = 	snop  }
0x5: {  	_ = 	snop  }
0x6: {  	_ = 	snop  }
0x7: {  	_ = 	snop  }
__scs_overlays_trampoline_lowered:
0x8: {  	[smem:$0x3FAC] =	sst s0  }
0x9: {  	[smem:$0x3FAD] =	sst s1  }
0xa: {  	[smem:$0x3FAE] =	sst s2  }
0xb: {  	[smem:$0x3FAF] =	sst s3  }
0xc: {  	[smem:$0x3FB0] =	sst s4  }
0xd: {  	[smem:$0x3FB1] =	sst s5  }
0xe: {  	[smem:$0x3FB2] =	sst s6  }
0xf: {  	[smem:$0x3FB3] =	sst s7  }
0x10: {  	[smem:$0x3FB4] =	sst s8  }
0x11: {  	[smem:$0x3FB5] =	sst s9;
	s0 =	simm.s32 @!p0 $0x0  }
0x12: {  	s1 =	sld [smem:$0x3F9B];
	s0 =	simm.s32 @p0 $0x1  }
0x13: {  	[smem:$0x3FB6] =	sst s0;
	s0 =	simm.s32 @!p1 $0x0  }
0x14: {  	s2 =	sld [smem:$0x3F9A];
	s0 =	simm.s32 @p1 $0x1  }
0x15: {  	[smem:$0x3FB7] =	sst s0;
	s0 =	simm.s32 @!p2 $0x0  }
0x16: {  	s3 =	sld [smem:$0x3FDB];
	s0 =	simm.s32 @p2 $0x1  }
0x17: {  	s4 =	simm.s32 $0x1BF5;
	[smem:$0x3FB9] =	sst s0  }
0x18: {  	s0 =	sld [smem:$0x3F9C];
	_ =	swait.ge [sflag:s4], $0x0  }
0x19: {  	s7 =	sld [smem:$0x3F9D]  }
0x1a: {  	s8 =	sadd.s32 $0xFFFFE003, lr  }
0x1b: {  	s9 =	sadd.s32 $0xFFFFFEF7, lr;
	s5 =	simm.s32 $0xFFFFFFFF;
	p2 =	slt.u32 s8, $0xFFFFF086  }
0x1c: {  	p1 =	slt.u32 s9, $0xF7A;
	s5 =	simm.s32 @!p2 $0x0  }
0x1d: {  	s5 =	simm.s32 @p1 $0x1;
	p0 =	seq.s32 s7, s2  }
0x1e: {  	s7 =	smul.u32 @!p0 $0xF7A, s2;
	p2 =	seq.s32 @!p0 s5, $0x0  }
0x1f: {  	s9 =	smul.u32 $0xF7A, s1;
	s8 =	simm.s32 @!p0 $0x1BF5;
	p2 =	por !p2, p0  }
0x20: {  	[sflag:s8] =	ssyncset.s32 @!p0 $0xFFFFF086;
	s6 =	sadd.s32 @!p0 s3, s7;
	s7 =	simm.s32 @!p0 $0x108  }
0x21: {  	s3 =	sadd.s32 s3, s9;
	s6 =	sadd.s32 @!p0 $0x88, s6;
	s7 =	simm.s32 @p2 $0x1082  }
0x22: {  	[simem:s7], [sflag:s8] =	dma.local @!p0 [hbm:s6], $0xF7A  }
0x23: {  	s9 =	sor.u32 $0xD0000000, s2;
	s6 =	simm.s32 $0x108;
	_ =	swait.ge @!p0 [sflag:s8], $0x0  }
0x24: {  	s3 =	sadd.s32 $0x88, s3;
	s6 =	simm.s32 @!p1 $0x1082;
	[sflag:s4] =	ssyncset.s32 $0xFFFFF086  }
0x25: {  	[simem:s6], [sflag:s4] =	dma.local [hbm:s3], $0xF7A  }
0x26: {  	[smem:$0x3F9D] =	sst s1;
	(tag) =	ssettag s2;
	_ =	strace s9  }
0x27: {  	s1 =	sld [smem:$0x3FAD]  }
0x28: {  	s2 =	sld [smem:$0x3FAE]  }
0x29: {  	s4 =	sld [smem:$0x3FB0]  }
0x2a: {  	p0 =	seq.s32 s5, $0x0;
	s5 =	sld [smem:$0x3FB1]  }
0x2b: {  	s6 =	sld [smem:$0x3FB2]  }
0x2c: {  	s7 =	sld [smem:$0x3FB3]  }
0x2d: {  	s3 =	simm.s32 $0x108;
	s8 =	sld [smem:$0x3FB4]  }
0x2e: {  	s3 =	simm.s32 @!p0 $0x1082;
	s9 =	sld [smem:$0x3FB5]  }
0x2f: {  	lr =	sadd.s32 s0, s3;
	s0 =	sld [smem:$0x3FAC]  }
0x30: {  	s3 =	sld [smem:$0x3FAF]  }
0x31: {  	[smem:$0x3FB8] =	sst s10  }
0x32: {  	s10 =	sld [smem:$0x3FB6];
	_ =	sdelay $0x3  }
0x33: {  	p0 =	seq.s32 s10, $0x1;
	s10 =	sld [smem:$0x3FB8];
	_ =	sdelay $0x3  }
0x34: {  	[smem:$0x3FB8] =	sst s10  }
0x35: {  	s10 =	sld [smem:$0x3FB7];
	_ =	sdelay $0x3  }
0x36: {  	p1 =	seq.s32 s10, $0x1;
	s10 =	sld [smem:$0x3FB8];
	_ =	sdelay $0x3  }
0x37: {  	[smem:$0x3FB8] =	sst s10  }
0x38: {  	s10 =	sld [smem:$0x3FB9]  }
0x39: {  	_ = 	snop;
	(pc) =	sbr.ind lr, $3  }
0x3a: {  	_ = 	snop  }
0x3b: {  	_ = 	snop  }
0x3c: {  	p2 =	seq.s32 s10, $0x1;
	s10 =	sld [smem:$0x3FB8]  }
0x3d: {  	_ =	shalt  }
0x3e: {  	_ =	shalt  }
0x3f: {  	_ =	shalt  }
0x40: {  	_ =	shalt  }
0x41: {  	_ =	shalt  }
0x42: {  	_ =	shalt  }
0x43: {  	_ =	shalt  }
0x44: {  	_ =	shalt  }
0x45: {  	_ =	shalt  }
0x46: {  	_ =	shalt  }
0x47: {  	_ =	shalt  }
0x48: {  	_ =	shalt  }
0x49: {  	_ =	shalt  }
0x4a: {  	_ =	shalt  }
0x4b: {  	_ =	shalt  }
0x4c: {  	_ =	shalt  }
0x4d: {  	_ =	shalt  }
0x4e: {  	_ =	shalt  }
0x4f: {  	_ =	shalt  }
0x50: {  	_ =	shalt  }
0x51: {  	_ =	shalt  }
0x52: {  	_ =	shalt  }
0x53: {  	_ =	shalt  }
0x54: {  	_ =	shalt  }
0x55: {  	_ =	shalt  }
0x56: {  	_ =	shalt  }
0x57: {  	_ =	shalt  }
0x58: {  	_ =	shalt  }
0x59: {  	_ =	shalt  }
0x5a: {  	_ =	shalt  }
0x5b: {  	_ =	shalt  }
0x5c: {  	_ =	shalt  }
0x5d: {  	_ =	shalt  }
0x5e: {  	_ =	shalt  }
0x5f: {  	_ =	shalt  }
0x60: {  	_ =	shalt  }
0x61: {  	_ =	shalt  }
0x62: {  	_ =	shalt  }
0x63: {  	_ =	shalt  }
0x64: {  	_ =	shalt  }
0x65: {  	_ =	shalt  }
0x66: {  	_ =	shalt  }
0x67: {  	_ =	shalt  }
0x68: {  	_ =	shalt  }
0x69: {  	_ =	shalt  }
0x6a: {  	_ =	shalt  }
0x6b: {  	_ =	shalt  }
0x6c: {  	_ =	shalt  }
0x6d: {  	_ =	shalt  }
0x6e: {  	_ =	shalt  }
0x6f: {  	_ =	shalt  }
0x70: {  	_ =	shalt  }
0x71: {  	_ =	shalt  }
0x72: {  	_ =	shalt  }
0x73: {  	_ =	shalt  }
0x74: {  	_ =	shalt  }
0x75: {  	_ =	shalt  }
0x76: {  	_ =	shalt  }
0x77: {  	_ =	shalt  }
0x78: {  	_ =	shalt  }
0x79: {  	_ =	shalt  }
0x7a: {  	_ =	shalt  }
0x7b: {  	_ =	shalt  }
0x7c: {  	_ =	shalt  }
0x7d: {  	_ =	shalt  }
0x7e: {  	_ =	shalt  }
0x7f: {  	_ =	shalt  }
0x80: {  	_ =	shalt  }
0x81: {  	_ =	shalt  }
0x82: {  	_ =	shalt  }
0x83: {  	_ =	shalt  }
0x84: {  	_ =	shalt  }
0x85: {  	_ =	shalt  }
0x86: {  	_ =	shalt  }
0x87: {  	_ =	shalt  }
.Lfunc_end0:
.L_simem_size_0:
called_computation_lowered:
.L_overlay_start_0:
0x88: {  	s2 =	sld [smem:$0x3FD9]  }
0x89: {  	s3 =	sld [smem:$0x3FFE];
	_ =	sdelay $0x1  }
0x8a: {  	s1 =	srdreg.scid  }
0x8b: {  	s0 =	sand.u32 $0x1, s1  }
0x8c: {  	s14 =	sshll.u32 s0, $0xA;
	s2 =	sadd.s32 s3, s2  }
0x8d: {  	s2 =	sadd.s32 s2, s14  }
0x8e: {  	[smem:$0x3FC4] =	sst s2  }
0x8f: {  	_ = 	snop  }
0x90: {  	s2 =	sld [smem:$0x3FD0];
	_ =	sdelay $0x1  }
0x91: {  	s15 =	sld [smem:$0x3FC8]  }
0x92: {  	s5 =	simm.s32 $0xA;
	s6 =	simm.s32 $0x10;
	s4 =	sld [smem:$0x3FC6]  }
0x93: {  	[smem:s6], [sflag:s5] =	dma.local [hbm:s2], $0x1  }
0x94: {  	_ =	swait.eq [sflag:s5], $0x1  }
0x95: {  	s16 =	sld [smem:$0x11];
	[sflag:s5] =	ssyncset.done $0x0  }
0x96: {  	s17 =	sld [smem:$0x12];
	[sflag:s5] =	ssyncadd.s32 $0xFFFFFFFF  }
0x97: {  	s18 =	sld [smem:$0x13];
	(tm) =	ssettm $0x1  }
0x98: {  	s7 =	sld [smem:$0x3FFB];
	_ =	sdelay $0x3  }
0x99: {  	_ =	strace s7  }
0x9a: {  	s7 =	sld [smem:$0x3FFC];
	_ =	sdelay $0x3  }
0x9b: {  	_ =	strace s7  }
0x9c: {  	s7 =	sld [smem:$0x3FFD];
	_ =	sdelay $0x3  }
0x9d: {  	_ =	strace s7  }
0x9e: {  	_ =	strace $0x8FFFFFFF  }
0x9f: {  	s19 =	sld [smem:$0x3FDB];
	_ =	sdelay $0x1  }
0xa0: {  	s8 =	simm.s32 $_scs_section_size  }
0xa1: {  	s9 =	simm.s32 $_size__tile_overlayer_lowered;
	s10 =	simm.s32 $_tile_overlayer_lowered  }
0xa2: {  	s22 =	simm.s32 $0x1BFF;
	s21 =	sshll.u32 s10, $0x1;
	s7 =	sadd.s32 s8, s19  }
0xa3: {  	s11 =	simm.s32 $0x0;
	s20 =	sshll.u32 s9, $0x1;
	s9 =	sadd.s32 s21, s7  }
0xa4: {  	[timem:s11], [sflag:s22] =	dma.local [hbm:s9], s20  }
0xa5: {  	_ =	swait.ge [sflag:s22], s20  }
0xa6: {  	s8 =	ssub.s32 $0x0, s20;
	[sflag:s22] =	ssyncset.done $0x0  }
0xa7: {  	[sflag:s22] =	ssyncadd.s32 s8;
	_ =	sdelay $0x1  }
0xa8: {  	s23 =	simm.s32 $0x1B8B  }
0xa9: {  	_ =	swait.ge [sflag:s23], $0x1  }
0xaa: {  	[sflag:s23] =	ssyncset.done $0x0  }
0xab: {  	s25 =	simm.s32 $0x1B8E;
	s24 =	sld [smem:$0x3FFE];
	[sflag:s23] =	ssyncadd.s32 $0xFFFFFFFF  }
0xac: {  	s26 =	simm.s32 $execute0_lowered;
	[smem:$0x3FD2] =	sst s25  }
0xad: {  	s9 =	sshll.u32 s26, $0x1;
	_ =	strace $0x80000046;
	[dreg:$0x1] =	wrdreg $0xFFFFFFFF  }
0xae: {  	s28 =	simm.s32 $_size_execute0_lowered;
	s7 =	sadd.s32 s7, s9;
	[dreg:$0x0] =	wrdreg $0x0  }
0xaf: {  	s9 =	sshll.u32 s28, $0x1;
	[dreg:$0x2] =	wrdreg s7  }
0xb0: {  	[dreg:$0x3] =	wrdreg s9  }
0xb1: {  	[dreg:$0x4] =	wrdreg $0xC0  }
0xb2: {  	_ =	task [dreg:s11], $0x5FFFF  }
0xb3: {  	[dreg:$0x1] =	wrdreg $0xFFFFFFFF  }
0xb4: {  	[dreg:$0x0] =	wrdreg $0x60  }
0xb5: {  	[dreg:$0x2] =	wrdreg s15  }
0xb6: {  	[dreg:$0x3] =	wrdreg s24  }
0xb7: {  	[dreg:$0x4] =	wrdreg s4  }
0xb8: {  	[dreg:$0x5] =	wrdreg s16  }
0xb9: {  	[dreg:$0x6] =	wrdreg s17  }
0xba: {  	[dreg:$0x7] =	wrdreg s18  }
0xbb: {  	[dreg:$0x8] =	wrdreg $0x9  }
0xbc: {  	_ =	task.clear_ibuf [dreg:s11], $0x9FFFF;
	_ =	strace $0x90000046  }
0xbd: {  	s29 =	simm.s32 $0x9;
	_ =	strace $0x80000048  }
0xbe: {  	_ =	swait.ge [sflag:s29], $0x1  }
0xbf: {  	[sflag:s29] =	ssyncadd.s32 $0xFFFFFFFF  }
0xc0: {  	_ =	strace $0x90000048  }
0xc1: {  	_ =	sfence  }
0xc2: {  	s30 =	sld [smem:$0x0];
	_ =	sdelay $0x2  }
0xc3: {  	s31 =	sshll.u32 s1, $0xD;
	s1 =	sshrl.u32 s1, $0x2  }
0xc4: {  	s3 =	sand.u32 $0x4000, s31;
	s1 =	sadd.s32 s1, s30  }
0xc5: {  	s0 =	sor.u32 s3, s0;
	s1 =	sshll.u32 s1, $0x11  }
0xc6: {  	s0 =	sor.u32 s1, s0  }
0xc7: {  	s0 =	sadd.s32 $0x8F2B, s0  }
0xc8: {  	[sflag:s0] =	ssyncadd.remote.s32 $0x1  }
0xc9: {  	_ =	sfence.sel $0xFFFF  }
0xca: {  	[dreg:$0x0] =	wrdreg $0xFFFFFFFF;
	(pc) =	sbr.abs _section_cstart, $3  }
0xcb: {  	[dreg:$0x1] =	wrdreg $0xFFFFFFFF  }
0xcc: {  	_ =	task.clear_ibuf [dreg:s11], $0x2FFFF;
	_ =	strace $0x9FFFFFFF  }
0xcd: {  	(tm) =	ssettm $0x7FFFFFFF  }
tec
execute0_lowered:
.L_overlay_start_1:
0x0: {  	(tag) =	ssettag $0x1  }
0x1: {  	s0 =	rddreg [dreg:$0x0]  }
0x2: {  	s1 =	rddreg [dreg:$0x1]  }
0x3: {  	s2 =	rddreg [dreg:$0x2]  }
0x4: {  	s3 =	rddreg [dreg:$0x3]  }
0x5: {  	s4 =	rddreg [dreg:$0x4]  }
0x6: {  	s6 =	rddreg [dreg:$0x5]  }
0x7: {  	s26 =	rddreg [dreg:$0x6]  }
0x8: {  	s7 =	srdreg.scid;
	s28 =	stileid.u32  }
0x9: {  	s5 =	simm.s32 $0x0;
	p1 =	por $0x0, $0x0;
	s7 =	sand.u32 $0x1, s7  }
0xa: {  	s8 =	sshll.u32 s28, $0x1;
	[smem:$0x7FF] =	sst s5;
	s10 =	sadd.s32 $0x1200, s1  }
0xb: {  	s8 =	sor.u32 s7, s8;
	_ =	strace $0x80000047;
	s16 =	ssub.s32 $0x2, s7  }
0xc: {  	[dreg:$0x7] =	wrdreg s10;
	s9 =	sshll.u32 s8, $0x6;
	s7 =	sshrl.u32 s16, $0x1  }
0xd: {  	s29 =	rddreg [dreg:$0x7];
	s11 =	sadd.s32 s9, s1;
	s1 =	sadd.s32 $0x1600, s1  }
0xe: {  	s18 =	smul.u32 $0x7800, s8;
	s0 =	sadd.s32 s0, s9;
	[dreg:$0x8] =	wrdreg s1  }
0xf: {  	p0 =	sne.s32 s8, $0x1F;
	s19 =	sadd.s32 s2, s9;
	[dreg:$0x9] =	wrdreg s0  }
0x10: {  	s8 =	simm.s32 $0x1;
	s20 =	sadd.s32 s3, s9;
	[dreg:$0xb] =	wrdreg s19  }
0x11: {  	s21 =	sadd.s32 s4, s9;
	s23 =	sadd.s32 s6, s9;
	[dreg:$0xc] =	wrdreg s20  }
0x12: {  	s17 =	sadd.s32 $0xA00, s11;
	s1 =	ssub.s32 s16, s7;
	[dreg:$0xd] =	wrdreg s21  }
0x13: {  	s22 =	sshrl.u32 s18, $0x3;
	[dreg:$0xe] =	wrdreg s23;
	s21 =	simm.s32 $0x600  }
0x14: {  	s23 =	simm.s32 $0x200;
	s7 =	simm.s32 $0x3;
	[dreg:$0xa] =	wrdreg s17  }
0x15: {  	s24 =	sadd.s32 $0x800, s22;
	s25 =	sadd.s32 $0xBC0, s22;
	s30 =	sadd.s32 $0xF80, s22  }
0x16: {  	s2 =	sadd.s32 $0x1340, s22;
	s31 =	smax.u32 s1, $0x1;
	s22 =	simm.s32 $0x2400  }
0x17: {  	s9 =	sadd.s32 s3, s24;
	s10 =	sadd.s32 s4, s24;
	s1 =	sadd.s32 $0xFFFFFFFF, s31  }
0x18: {  	s11 =	sadd.s32 s6, s24;
	s12 =	sadd.s32 s3, s25;
	p2 =	sne.s32 s1, $0x0  }
.Ltmp0:
0x19: {  	s13 =	sadd.s32 s4, s25;
	s14 =	sadd.s32 s6, s25;
	(pc) =	sbr.rel @!p2 .LBB2_1-.Ltmp0, $4  }
0x1a: {  	s15 =	sadd.s32 s3, s30;
	s16 =	sadd.s32 s4, s30;
	s17 =	sadd.s32 s6, s30  }
0x1b: {  	s18 =	sadd.s32 s3, s2;
	s19 =	sadd.s32 s4, s2;
	s20 =	sadd.s32 s6, s2  }
0x1c: {  	s3 =	sadd.s32 $0x1E800, s3;
	s4 =	sadd.s32 $0x1E800, s4;
	s2 =	sadd.s32 $0x1E800, s6  }
0x1d: {  	s25 =	simm.s32 $0x4;
	s24 =	simm.s32 $0x400;
	s6 =	simm.s32 $0x2  }
0x1e: {  	[tilespmem:s21], [sflag:$0x4] =	stream.linear.gather [hbm4b:s29+s5], $0x1E00, $0x38;
	[tilespmem:$0x4200] =	vst v63  }
0x1f: {  	_ =	swait.ge [sflag:s25], $0x1E00  }
0x20: {  	[sflag:s25] =	ssyncset.done $0x0  }
0x21: {  	s0 =	rddreg [dreg:$0x8];
	[sflag:s25] =	ssyncadd.s32 $0xFFFFE200  }
0x22: {  	[tilespmem:s22], [sflag:$0x4] =	stream.linear.gather [hbm4b:s0+s5], $0x1E00, $0x38;
	[tilespmem:$0x4200] =	vst v63  }
0x23: {  	_ =	swait.ge [sflag:s25], $0x1E00  }
0x24: {  	[sflag:s25] =	ssyncset.done $0x0  }
0x25: {  	s26 =	rddreg [dreg:$0x9];
	[sflag:s25] =	ssyncadd.s32 $0xFFFFE200  }
0x26: {  	[tilespmem:s5], [sflag:$0x4] =	stream.linear.gather [hbm4b:s26+s5], $0x200, $0x38;
	[tilespmem:$0x4200] =	vst v63  }
0x27: {  	_ =	swait.ge [sflag:s25], $0x200  }
0x28: {  	[sflag:s25] =	ssyncset.done $0x0  }
0x29: {  	s26 =	rddreg [dreg:$0xa];
	[sflag:s25] =	ssyncadd.s32 $0xFFFFFE00  }
0x2a: {  	[tilespmem:s23], [sflag:$0x4] =	stream.linear.gather [hbm4b:s26+s5], $0x200, $0x38;
	[tilespmem:$0x4200] =	vst v63  }
0x2b: {  	_ =	swait.ge [sflag:s25], $0x200  }
0x2c: {  	[sflag:s25] =	ssyncset.done $0x0  }
0x2d: {  	s26 =	rddreg [dreg:$0xb];
	[sflag:s25] =	ssyncadd.s32 $0xFFFFFE00  }
0x2e: {  	[tilespmem:s24], [sflag:$0x4] =	stream.linear.gather [hbm4b:s26+s5], $0x200, $0x38;
	[tilespmem:$0x4200] =	vst v63  }
0x2f: {  	_ =	swait.ge [sflag:s25], $0x200  }
0x30: {  	[sflag:s25] =	ssyncset.done $0x0  }
0x31: {  	s0 =	rddreg [dreg:$0xc];
	[sflag:s25] =	ssyncadd.s32 $0xFFFFFE00  }
0x32: {  	[hbm4b:s0+s5] =	stream.linear.scatter [tilespmem:s5], [sflag:$0x1], $0x200, $0x38;
	[tilespmem:$0x4200] =	vst v63  }
0x33: {  	s26 =	rddreg [dreg:$0xd]  }
0x34: {  	[hbm4b:s26+s5] =	stream.linear.scatter [tilespmem:s23], [sflag:$0x2], $0x200, $0x38;
	[tilespmem:$0x4200] =	vst v63  }
0x35: {  	s0 =	rddreg [dreg:$0xe]  }
0x36: {  	[hbm4b:s0+s5] =	stream.linear.scatter [tilespmem:s24], [sflag:$0x3], $0x200, $0x38;
	[tilespmem:$0x4200] =	vst v63  }
0x37: {  	_ = 	snop  }
0x38: {  	[hbm4b:s9+s5] =	stream.linear.scatter [tilespmem:s21], [sflag:$0x1], $0x1E00, $0x38;
	[tilespmem:$0x4200] =	vst v63  }
0x39: {  	_ = 	snop  }
0x3a: {  	[hbm4b:s10+s5] =	stream.linear.scatter [tilespmem:s21], [sflag:$0x2], $0x1E00, $0x38;
	[tilespmem:$0x4200] =	vst v63  }
0x3b: {  	_ = 	snop  }
0x3c: {  	[hbm4b:s11+s5] =	stream.linear.scatter [tilespmem:s22], [sflag:$0x3], $0x1E00, $0x38;
	[tilespmem:$0x4200] =	vst v63  }
0x3d: {  	_ = 	snop  }
0x3e: {  	[hbm4b:s12+s5] =	stream.linear.scatter [tilespmem:s21], [sflag:$0x1], $0x1E00, $0x38;
	[tilespmem:$0x4200] =	vst v63  }
0x3f: {  	_ = 	snop  }
0x40: {  	[hbm4b:s13+s5] =	stream.linear.scatter [tilespmem:s21], [sflag:$0x2], $0x1E00, $0x38;
	[tilespmem:$0x4200] =	vst v63  }
0x41: {  	_ = 	snop  }
0x42: {  	[hbm4b:s14+s5] =	stream.linear.scatter [tilespmem:s22], [sflag:$0x3], $0x1E00, $0x38;
	[tilespmem:$0x4200] =	vst v63  }
0x43: {  	_ = 	snop  }
0x44: {  	[hbm4b:s15+s5] =	stream.linear.scatter [tilespmem:s21], [sflag:$0x1], $0x1E00, $0x38;
	[tilespmem:$0x4200] =	vst v63  }
0x45: {  	_ = 	snop  }
0x46: {  	[hbm4b:s16+s5] =	stream.linear.scatter [tilespmem:s21], [sflag:$0x2], $0x1E00, $0x38;
	[tilespmem:$0x4200] =	vst v63  }
0x47: {  	_ = 	snop  }
0x48: {  	[hbm4b:s17+s5] =	stream.linear.scatter [tilespmem:s22], [sflag:$0x3], $0x1E00, $0x38;
	[tilespmem:$0x4200] =	vst v63  }
0x49: {  	_ = 	snop  }
0x4a: {  	[hbm4b:s18+s5] =	stream.linear.scatter [tilespmem:s21], [sflag:$0x1], $0x1E00, $0x38;
	[tilespmem:$0x4200] =	vst v63  }
0x4b: {  	_ = 	snop  }
0x4c: {  	[hbm4b:s19+s5] =	stream.linear.scatter [tilespmem:s21], [sflag:$0x2], $0x1E00, $0x38;
	[tilespmem:$0x4200] =	vst v63  }
0x4d: {  	_ = 	snop  }
0x4e: {  	[hbm4b:s20+s5] =	stream.linear.scatter [tilespmem:s22], [sflag:$0x3], $0x1E00, $0x38;
	[tilespmem:$0x4200] =	vst v63  }
0x4f: {  	_ =	swait.ge [sflag:s8], $0x200  }
0x50: {  	[sflag:s8] =	ssyncset.done $0x0  }
0x51: {  	[sflag:s8] =	ssyncadd.s32 $0xFFFFFE00  }
0x52: {  	_ =	swait.ge [sflag:s6], $0x200  }
0x53: {  	[sflag:s6] =	ssyncset.done $0x0  }
0x54: {  	[sflag:s6] =	ssyncadd.s32 $0xFFFFFE00  }
0x55: {  	_ =	swait.ge [sflag:s7], $0x200  }
0x56: {  	[sflag:s7] =	ssyncset.done $0x0  }
0x57: {  	[sflag:s7] =	ssyncadd.s32 $0xFFFFFE00  }
0x58: {  	_ =	swait.ge [sflag:s8], $0x1E00  }
0x59: {  	[sflag:s8] =	ssyncset.done $0x0  }
0x5a: {  	[sflag:s8] =	ssyncadd.s32 $0xFFFFE200  }
0x5b: {  	_ =	swait.ge [sflag:s6], $0x1E00  }
0x5c: {  	[sflag:s6] =	ssyncset.done $0x0  }
0x5d: {  	[sflag:s6] =	ssyncadd.s32 $0xFFFFE200  }
0x5e: {  	_ =	swait.ge [sflag:s7], $0x1E00  }
0x5f: {  	[sflag:s7] =	ssyncset.done $0x0  }
0x60: {  	[sflag:s7] =	ssyncadd.s32 $0xFFFFE200  }
0x61: {  	_ =	swait.ge [sflag:s8], $0x1E00  }
0x62: {  	[sflag:s8] =	ssyncset.done $0x0  }
0x63: {  	[sflag:s8] =	ssyncadd.s32 $0xFFFFE200  }
0x64: {  	_ =	swait.ge [sflag:s6], $0x1E00  }
0x65: {  	[sflag:s6] =	ssyncset.done $0x0  }
0x66: {  	[sflag:s6] =	ssyncadd.s32 $0xFFFFE200  }
0x67: {  	_ =	swait.ge [sflag:s7], $0x1E00  }
0x68: {  	[sflag:s7] =	ssyncset.done $0x0  }
0x69: {  	[sflag:s7] =	ssyncadd.s32 $0xFFFFE200  }
0x6a: {  	_ =	swait.ge [sflag:s8], $0x1E00  }
0x6b: {  	[sflag:s8] =	ssyncset.done $0x0  }
0x6c: {  	[sflag:s8] =	ssyncadd.s32 $0xFFFFE200  }
0x6d: {  	_ =	swait.ge [sflag:s6], $0x1E00  }
0x6e: {  	[sflag:s6] =	ssyncset.done $0x0  }
0x6f: {  	[sflag:s6] =	ssyncadd.s32 $0xFFFFE200  }
0x70: {  	_ =	swait.ge [sflag:s7], $0x1E00  }
0x71: {  	[sflag:s7] =	ssyncset.done $0x0  }
0x72: {  	[sflag:s7] =	ssyncadd.s32 $0xFFFFE200  }
0x73: {  	_ =	swait.ge [sflag:s8], $0x1E00  }
0x74: {  	[sflag:s8] =	ssyncset.done $0x0  }
0x75: {  	[sflag:s8] =	ssyncadd.s32 $0xFFFFE200  }
0x76: {  	_ =	swait.ge [sflag:s6], $0x1E00  }
0x77: {  	[sflag:s6] =	ssyncset.done $0x0  }
0x78: {  	[sflag:s6] =	ssyncadd.s32 $0xFFFFE200  }
0x79: {  	_ =	swait.ge [sflag:s7], $0x1E00  }
0x7a: {  	[sflag:s7] =	ssyncset.done $0x0  }
0x7b: {  	s26 =	simm.s32 @!p0 $0x0;
	s0 =	simm.s32 @!p0 $0x600;
	[sflag:s7] =	ssyncadd.s32 $0xFFFFE200  }
0x7c: {  	[hbm4b:s3+s26] =	stream.linear.scatter @!p0 [tilespmem:s0], [sflag:$0x1], $0x240, $0x38;
	[tilespmem:$0x4200] =	vst v63  }
0x7d: {  	_ = 	snop  }
0x7e: {  	[hbm4b:s4+s26] =	stream.linear.scatter @!p0 [tilespmem:s0], [sflag:$0x2], $0x240, $0x38;
	[tilespmem:$0x4200] =	vst v63  }
0x7f: {  	s30 =	simm.s32 @!p0 $0x1;
	s0 =	simm.s32 @!p0 $0x2400  }
0x80: {  	[hbm4b:s2+s26] =	stream.linear.scatter @!p0 [tilespmem:s0], [sflag:$0x3], $0x240, $0x38;
	[tilespmem:$0x4200] =	vst v63  }
0x81: {  	_ =	swait.ge @!p0 [sflag:s30], $0x240  }
0x82: {  	s1 =	sadd.s32 $0xFFFFFFFF, s1;
	[sflag:s30] =	ssyncset.done @!p0 $0x0  }
0x83: {  	p2 =	sne.s32 s1, $0x0;
	s0 =	simm.s32 @!p0 $0x2;
	[sflag:s30] =	ssyncadd.s32 @!p0 $0xFFFFFDC0  }
.Ltmp1:
0x84: {  	_ =	swait.ge @!p0 [sflag:s0], $0x240;
	(pc) =	sbr.rel @!p2 .LBB2_3-.Ltmp1, $4  }
0x85: {  	[sflag:s0] =	ssyncset.done @!p0 $0x0  }
0x86: {  	s31 =	simm.s32 @!p0 $0x3;
	[sflag:s0] =	ssyncadd.s32 @!p0 $0xFFFFFDC0  }
0x87: {  	s28 =	simm.s32 $0x400;
	p1 =	por $0x1, $0x1;
	_ =	swait.ge @!p0 [sflag:s31], $0x240  }
0x88: {  	s24 =	simm.s32 $0x200;
	s29 =	rddreg [dreg:$0x7];
	[sflag:s31] =	ssyncset.done @!p0 $0x0  }
.LBB2_4:
0x89: {  	[sflag:s31] =	ssyncadd.s32 @!p0 $0xFFFFFDC0  }
0x8a: {  	[tilespmem:s21], [sflag:$0x4] =	stream.linear.gather [hbm4b:s29+s5], $0x1E00, $0x38;
	[tilespmem:$0x4200] =	vst v63  }
0x8b: {  	_ =	swait.ge [sflag:s25], $0x1E00  }
0x8c: {  	[sflag:s25] =	ssyncset.done $0x0  }
0x8d: {  	s29 =	rddreg [dreg:$0x8];
	[sflag:s25] =	ssyncadd.s32 $0xFFFFE200  }
0x8e: {  	[tilespmem:s22], [sflag:$0x4] =	stream.linear.gather [hbm4b:s29+s5], $0x1E00, $0x38;
	[tilespmem:$0x4200] =	vst v63  }
0x8f: {  	_ =	swait.ge [sflag:s25], $0x1E00  }
0x90: {  	[sflag:s25] =	ssyncset.done $0x0  }
0x91: {  	s29 =	rddreg [dreg:$0x9];
	[sflag:s25] =	ssyncadd.s32 $0xFFFFE200  }
0x92: {  	[tilespmem:s5], [sflag:$0x4] =	stream.linear.gather [hbm4b:s29+s5], $0x200, $0x38;
	[tilespmem:$0x4200] =	vst v63  }
0x93: {  	_ =	swait.ge [sflag:s25], $0x200  }
0x94: {  	s23 =	smov.u32 s20;
	s20 =	smov.u32 s19;
	[sflag:s25] =	ssyncset.done $0x0  }
0x95: {  	s19 =	smov.u32 s18;
	s29 =	rddreg [dreg:$0xa];
	[sflag:s25] =	ssyncadd.s32 $0xFFFFFE00  }
0x96: {  	[tilespmem:s24], [sflag:$0x4] =	stream.linear.gather [hbm4b:s29+s5], $0x200, $0x38;
	[tilespmem:$0x4200] =	vst v63  }
0x97: {  	s18 =	smov.u32 s17;
	s17 =	smov.u32 s16;
	_ =	swait.ge [sflag:s25], $0x200  }
0x98: {  	s16 =	smov.u32 s15;
	s15 =	smov.u32 s14;
	[sflag:s25] =	ssyncset.done $0x0  }
0x99: {  	s14 =	smov.u32 s13;
	s29 =	rddreg [dreg:$0xb];
	[sflag:s25] =	ssyncadd.s32 $0xFFFFFE00  }
0x9a: {  	[tilespmem:s28], [sflag:$0x4] =	stream.linear.gather [hbm4b:s29+s5], $0x200, $0x38;
	[tilespmem:$0x4200] =	vst v63  }
0x9b: {  	s13 =	smov.u32 s12;
	s12 =	smov.u32 s11;
	_ =	swait.ge [sflag:s25], $0x200  }
0x9c: {  	s11 =	smov.u32 s10;
	s10 =	smov.u32 s9;
	[sflag:s25] =	ssyncset.done $0x0  }
0x9d: {  	s9 =	smov.u32 s4;
	s29 =	rddreg [dreg:$0xc];
	[sflag:s25] =	ssyncadd.s32 $0xFFFFFE00  }
0x9e: {  	[hbm4b:s29+s5] =	stream.linear.scatter [tilespmem:s5], [sflag:$0x1], $0x200, $0x38;
	[tilespmem:$0x4200] =	vst v63  }
0x9f: {  	s4 =	smov.u32 s3;
	s3 =	smov.u32 s2;
	s2 =	rddreg [dreg:$0xd]  }
0xa0: {  	[hbm4b:s2+s5] =	stream.linear.scatter [tilespmem:s24], [sflag:$0x2], $0x200, $0x38;
	[tilespmem:$0x4200] =	vst v63  }
0xa1: {  	s29 =	rddreg [dreg:$0xe];
	s2 =	smov.u32 s3  }
0xa2: {  	[hbm4b:s29+s5] =	stream.linear.scatter [tilespmem:s28], [sflag:$0x3], $0x200, $0x38;
	[tilespmem:$0x4200] =	vst v63  }
0xa3: {  	s3 =	smov.u32 s4;
	s4 =	smov.u32 s9;
	s9 =	smov.u32 s10  }
0xa4: {  	[hbm4b:s9+s5] =	stream.linear.scatter [tilespmem:s21], [sflag:$0x1], $0x1E00, $0x38;
	[tilespmem:$0x4200] =	vst v63  }
0xa5: {  	s10 =	smov.u32 s11  }
0xa6: {  	[hbm4b:s10+s5] =	stream.linear.scatter [tilespmem:s21], [sflag:$0x2], $0x1E00, $0x38;
	[tilespmem:$0x4200] =	vst v63  }
0xa7: {  	s11 =	smov.u32 s12  }
0xa8: {  	[hbm4b:s11+s5] =	stream.linear.scatter [tilespmem:s22], [sflag:$0x3], $0x1E00, $0x38;
	[tilespmem:$0x4200] =	vst v63  }
0xa9: {  	s12 =	smov.u32 s13  }
0xaa: {  	[hbm4b:s12+s5] =	stream.linear.scatter [tilespmem:s21], [sflag:$0x1], $0x1E00, $0x38;
	[tilespmem:$0x4200] =	vst v63  }
0xab: {  	s13 =	smov.u32 s14  }
0xac: {  	[hbm4b:s13+s5] =	stream.linear.scatter [tilespmem:s21], [sflag:$0x2], $0x1E00, $0x38;
	[tilespmem:$0x4200] =	vst v63  }
0xad: {  	s14 =	smov.u32 s15  }
0xae: {  	[hbm4b:s14+s5] =	stream.linear.scatter [tilespmem:s22], [sflag:$0x3], $0x1E00, $0x38;
	[tilespmem:$0x4200] =	vst v63  }
0xaf: {  	s15 =	smov.u32 s16  }
0xb0: {  	[hbm4b:s15+s5] =	stream.linear.scatter [tilespmem:s21], [sflag:$0x1], $0x1E00, $0x38;
	[tilespmem:$0x4200] =	vst v63  }
0xb1: {  	s16 =	smov.u32 s17  }
0xb2: {  	[hbm4b:s16+s5] =	stream.linear.scatter [tilespmem:s21], [sflag:$0x2], $0x1E00, $0x38;
	[tilespmem:$0x4200] =	vst v63  }
0xb3: {  	s17 =	smov.u32 s18  }
0xb4: {  	[hbm4b:s17+s5] =	stream.linear.scatter [tilespmem:s22], [sflag:$0x3], $0x1E00, $0x38;
	[tilespmem:$0x4200] =	vst v63  }
0xb5: {  	s18 =	smov.u32 s19  }
0xb6: {  	[hbm4b:s18+s5] =	stream.linear.scatter [tilespmem:s21], [sflag:$0x1], $0x1E00, $0x38;
	[tilespmem:$0x4200] =	vst v63  }
0xb7: {  	s19 =	smov.u32 s20  }
0xb8: {  	[hbm4b:s19+s5] =	stream.linear.scatter [tilespmem:s21], [sflag:$0x2], $0x1E00, $0x38;
	[tilespmem:$0x4200] =	vst v63  }
0xb9: {  	_ = 	snop  }
0xba: {  	[hbm4b:s23+s5] =	stream.linear.scatter [tilespmem:s22], [sflag:$0x3], $0x1E00, $0x38;
	[tilespmem:$0x4200] =	vst v63  }
0xbb: {  	_ =	swait.ge [sflag:s8], $0x200  }
0xbc: {  	[sflag:s8] =	ssyncset.done $0x0  }
0xbd: {  	[sflag:s8] =	ssyncadd.s32 $0xFFFFFE00  }
0xbe: {  	_ =	swait.ge [sflag:s6], $0x200  }
0xbf: {  	[sflag:s6] =	ssyncset.done $0x0  }
0xc0: {  	[sflag:s6] =	ssyncadd.s32 $0xFFFFFE00  }
0xc1: {  	_ =	swait.ge [sflag:s7], $0x200  }
0xc2: {  	[sflag:s7] =	ssyncset.done $0x0  }
0xc3: {  	[sflag:s7] =	ssyncadd.s32 $0xFFFFFE00  }
0xc4: {  	_ =	swait.ge [sflag:s8], $0x1E00  }
0xc5: {  	[sflag:s8] =	ssyncset.done $0x0  }
0xc6: {  	[sflag:s8] =	ssyncadd.s32 $0xFFFFE200  }
0xc7: {  	_ =	swait.ge [sflag:s6], $0x1E00  }
0xc8: {  	[sflag:s6] =	ssyncset.done $0x0  }
0xc9: {  	[sflag:s6] =	ssyncadd.s32 $0xFFFFE200  }
0xca: {  	_ =	swait.ge [sflag:s7], $0x1E00  }
0xcb: {  	[sflag:s7] =	ssyncset.done $0x0  }
0xcc: {  	[sflag:s7] =	ssyncadd.s32 $0xFFFFE200  }
0xcd: {  	_ =	swait.ge [sflag:s8], $0x1E00  }
0xce: {  	[sflag:s8] =	ssyncset.done $0x0  }
0xcf: {  	[sflag:s8] =	ssyncadd.s32 $0xFFFFE200  }
0xd0: {  	_ =	swait.ge [sflag:s6], $0x1E00  }
0xd1: {  	[sflag:s6] =	ssyncset.done $0x0  }
0xd2: {  	[sflag:s6] =	ssyncadd.s32 $0xFFFFE200  }
0xd3: {  	_ =	swait.ge [sflag:s7], $0x1E00  }
0xd4: {  	[sflag:s7] =	ssyncset.done $0x0  }
0xd5: {  	[sflag:s7] =	ssyncadd.s32 $0xFFFFE200  }
0xd6: {  	_ =	swait.ge [sflag:s8], $0x1E00  }
0xd7: {  	[sflag:s8] =	ssyncset.done $0x0  }
0xd8: {  	[sflag:s8] =	ssyncadd.s32 $0xFFFFE200  }
0xd9: {  	_ =	swait.ge [sflag:s6], $0x1E00  }
0xda: {  	[sflag:s6] =	ssyncset.done $0x0  }
0xdb: {  	[sflag:s6] =	ssyncadd.s32 $0xFFFFE200  }
0xdc: {  	_ =	swait.ge [sflag:s7], $0x1E00  }
0xdd: {  	[sflag:s7] =	ssyncset.done $0x0  }
0xde: {  	[sflag:s7] =	ssyncadd.s32 $0xFFFFE200  }
0xdf: {  	_ =	swait.ge [sflag:s8], $0x1E00  }
0xe0: {  	[sflag:s8] =	ssyncset.done $0x0  }
0xe1: {  	[sflag:s8] =	ssyncadd.s32 $0xFFFFE200  }
0xe2: {  	_ =	swait.ge [sflag:s6], $0x1E00  }
0xe3: {  	[sflag:s6] =	ssyncset.done $0x0  }
0xe4: {  	[sflag:s6] =	ssyncadd.s32 $0xFFFFE200  }
0xe5: {  	_ =	swait.ge [sflag:s7], $0x1E00  }
0xe6: {  	[sflag:s7] =	ssyncset.done $0x0  }
0xe7: {  	s20 =	smov.u32 s23;
	s23 =	simm.s32 @!p0 $0x600;
	[sflag:s7] =	ssyncadd.s32 $0xFFFFE200  }
0xe8: {  	[hbm4b:s3+s26] =	stream.linear.scatter @!p0 [tilespmem:s23], [sflag:$0x1], $0x240, $0x38;
	[tilespmem:$0x4200] =	vst v63  }
0xe9: {  	_ = 	snop  }
0xea: {  	[hbm4b:s4+s26] =	stream.linear.scatter @!p0 [tilespmem:s23], [sflag:$0x2], $0x240, $0x38;
	[tilespmem:$0x4200] =	vst v63  }
0xeb: {  	s23 =	simm.s32 @!p0 $0x2400  }
0xec: {  	[hbm4b:s2+s26] =	stream.linear.scatter @!p0 [tilespmem:s23], [sflag:$0x3], $0x240, $0x38;
	[tilespmem:$0x4200] =	vst v63  }
0xed: {  	_ =	swait.ge @!p0 [sflag:s30], $0x240  }
0xee: {  	s1 =	sadd.s32 $0xFFFFFFFF, s1;
	[sflag:s30] =	ssyncset.done @!p0 $0x0  }
0xef: {  	p2 =	sne.s32 s1, $0x0;
	[sflag:s30] =	ssyncadd.s32 @!p0 $0xFFFFFDC0  }
.Ltmp2:
0xf0: {  	_ =	swait.ge @!p0 [sflag:s0], $0x240;
	(pc) =	sbr.rel @p2 .LBB2_4-.Ltmp2, $4  }
0xf1: {  	[sflag:s0] =	ssyncset.done @!p0 $0x0  }
0xf2: {  	[sflag:s0] =	ssyncadd.s32 @!p0 $0xFFFFFDC0  }
0xf3: {  	_ =	swait.ge @!p0 [sflag:s31], $0x240  }
0xf4: {  	s29 =	rddreg [dreg:$0x7];
	[sflag:s31] =	ssyncset.done @!p0 $0x0  }
0xf5: {  	s26 =	rddreg [dreg:$0x6]  }
0xf6: {  	s28 =	stileid.u32;
	s23 =	simm.s32 $0x200;
	s24 =	simm.s32 $0x400  }
.LBB2_6:
0xf7: {  	p1 =	por p0, !p1  }
0xf8: {  	[sflag:s31] =	ssyncadd.s32 @!p1 $0xFFFFFDC0  }
0xf9: {  	[tilespmem:s21], [sflag:$0x4] =	stream.linear.gather [hbm4b:s29+s5], $0x1E00, $0x38;
	[tilespmem:$0x4200] =	vst v63  }
0xfa: {  	_ =	swait.ge [sflag:s25], $0x1E00  }
0xfb: {  	[sflag:s25] =	ssyncset.done $0x0  }
0xfc: {  	s0 =	rddreg [dreg:$0x8];
	[sflag:s25] =	ssyncadd.s32 $0xFFFFE200  }
0xfd: {  	[tilespmem:s22], [sflag:$0x4] =	stream.linear.gather [hbm4b:s0+s5], $0x1E00, $0x38;
	[tilespmem:$0x4200] =	vst v63  }
0xfe: {  	_ =	swait.ge [sflag:s25], $0x1E00  }
0xff: {  	[sflag:s25] =	ssyncset.done $0x0  }
0x100: {  	s31 =	rddreg [dreg:$0x9];
	[sflag:s25] =	ssyncadd.s32 $0xFFFFE200  }
0x101: {  	[tilespmem:s5], [sflag:$0x4] =	stream.linear.gather [hbm4b:s31+s5], $0x200, $0x38;
	[tilespmem:$0x4200] =	vst v63  }
0x102: {  	_ =	swait.ge [sflag:s25], $0x200  }
0x103: {  	[sflag:s25] =	ssyncset.done $0x0  }
0x104: {  	s1 =	rddreg [dreg:$0xa];
	[sflag:s25] =	ssyncadd.s32 $0xFFFFFE00  }
0x105: {  	[tilespmem:s23], [sflag:$0x4] =	stream.linear.gather [hbm4b:s1+s5], $0x200, $0x38;
	[tilespmem:$0x4200] =	vst v63  }
0x106: {  	_ =	swait.ge [sflag:s25], $0x200  }
0x107: {  	[sflag:s25] =	ssyncset.done $0x0  }
0x108: {  	s29 =	rddreg [dreg:$0xb];
	[sflag:s25] =	ssyncadd.s32 $0xFFFFFE00  }
0x109: {  	[tilespmem:s24], [sflag:$0x4] =	stream.linear.gather [hbm4b:s29+s5], $0x200, $0x38;
	[tilespmem:$0x4200] =	vst v63  }
0x10a: {  	_ =	swait.ge [sflag:s25], $0x200  }
0x10b: {  	[sflag:s25] =	ssyncset.done $0x0  }
0x10c: {  	s30 =	rddreg [dreg:$0xc];
	[sflag:s25] =	ssyncadd.s32 $0xFFFFFE00  }
0x10d: {  	[hbm4b:s30+s5] =	stream.linear.scatter [tilespmem:s5], [sflag:$0x1], $0x200, $0x38;
	[tilespmem:$0x4200] =	vst v63  }
0x10e: {  	s1 =	rddreg [dreg:$0xd]  }
0x10f: {  	[hbm4b:s1+s5] =	stream.linear.scatter [tilespmem:s23], [sflag:$0x2], $0x200, $0x38;
	[tilespmem:$0x4200] =	vst v63  }
0x110: {  	s31 =	rddreg [dreg:$0xe]  }
0x111: {  	[hbm4b:s31+s5] =	stream.linear.scatter [tilespmem:s24], [sflag:$0x3], $0x200, $0x38;
	[tilespmem:$0x4200] =	vst v63  }
0x112: {  	_ = 	snop  }
0x113: {  	[hbm4b:s9+s5] =	stream.linear.scatter [tilespmem:s21], [sflag:$0x1], $0x1E00, $0x38;
	[tilespmem:$0x4200] =	vst v63  }
0x114: {  	_ = 	snop  }
0x115: {  	[hbm4b:s10+s5] =	stream.linear.scatter [tilespmem:s21], [sflag:$0x2], $0x1E00, $0x38;
	[tilespmem:$0x4200] =	vst v63  }
0x116: {  	_ = 	snop  }
0x117: {  	[hbm4b:s11+s5] =	stream.linear.scatter [tilespmem:s22], [sflag:$0x3], $0x1E00, $0x38;
	[tilespmem:$0x4200] =	vst v63  }
0x118: {  	_ = 	snop  }
0x119: {  	[hbm4b:s12+s5] =	stream.linear.scatter [tilespmem:s21], [sflag:$0x1], $0x1E00, $0x38;
	[tilespmem:$0x4200] =	vst v63  }
0x11a: {  	_ = 	snop  }
0x11b: {  	[hbm4b:s13+s5] =	stream.linear.scatter [tilespmem:s21], [sflag:$0x2], $0x1E00, $0x38;
	[tilespmem:$0x4200] =	vst v63  }
0x11c: {  	_ = 	snop  }
0x11d: {  	[hbm4b:s14+s5] =	stream.linear.scatter [tilespmem:s22], [sflag:$0x3], $0x1E00, $0x38;
	[tilespmem:$0x4200] =	vst v63  }
0x11e: {  	_ = 	snop  }
0x11f: {  	[hbm4b:s15+s5] =	stream.linear.scatter [tilespmem:s21], [sflag:$0x1], $0x1E00, $0x38;
	[tilespmem:$0x4200] =	vst v63  }
0x120: {  	_ = 	snop  }
0x121: {  	[hbm4b:s16+s5] =	stream.linear.scatter [tilespmem:s21], [sflag:$0x2], $0x1E00, $0x38;
	[tilespmem:$0x4200] =	vst v63  }
0x122: {  	_ = 	snop  }
0x123: {  	[hbm4b:s17+s5] =	stream.linear.scatter [tilespmem:s22], [sflag:$0x3], $0x1E00, $0x38;
	[tilespmem:$0x4200] =	vst v63  }
0x124: {  	_ = 	snop  }
0x125: {  	[hbm4b:s18+s5] =	stream.linear.scatter [tilespmem:s21], [sflag:$0x1], $0x1E00, $0x38;
	[tilespmem:$0x4200] =	vst v63  }
0x126: {  	_ = 	snop  }
0x127: {  	[hbm4b:s19+s5] =	stream.linear.scatter [tilespmem:s21], [sflag:$0x2], $0x1E00, $0x38;
	[tilespmem:$0x4200] =	vst v63  }
0x128: {  	_ = 	snop  }
0x129: {  	[hbm4b:s20+s5] =	stream.linear.scatter [tilespmem:s22], [sflag:$0x3], $0x1E00, $0x38;
	[tilespmem:$0x4200] =	vst v63  }
0x12a: {  	_ =	swait.ge [sflag:s8], $0x200  }
0x12b: {  	[sflag:s8] =	ssyncset.done $0x0  }
0x12c: {  	[sflag:s8] =	ssyncadd.s32 $0xFFFFFE00  }
0x12d: {  	_ =	swait.ge [sflag:s6], $0x200  }
0x12e: {  	[sflag:s6] =	ssyncset.done $0x0  }
0x12f: {  	[sflag:s6] =	ssyncadd.s32 $0xFFFFFE00  }
0x130: {  	_ =	swait.ge [sflag:s7], $0x200  }
0x131: {  	[sflag:s7] =	ssyncset.done $0x0  }
0x132: {  	[sflag:s7] =	ssyncadd.s32 $0xFFFFFE00  }
0x133: {  	_ =	swait.ge [sflag:s8], $0x1E00  }
0x134: {  	[sflag:s8] =	ssyncset.done $0x0  }
0x135: {  	[sflag:s8] =	ssyncadd.s32 $0xFFFFE200  }
0x136: {  	_ =	swait.ge [sflag:s6], $0x1E00  }
0x137: {  	[sflag:s6] =	ssyncset.done $0x0  }
0x138: {  	[sflag:s6] =	ssyncadd.s32 $0xFFFFE200  }
0x139: {  	_ =	swait.ge [sflag:s7], $0x1E00  }
0x13a: {  	[sflag:s7] =	ssyncset.done $0x0  }
0x13b: {  	[sflag:s7] =	ssyncadd.s32 $0xFFFFE200  }
0x13c: {  	_ =	swait.ge [sflag:s8], $0x1E00  }
0x13d: {  	[sflag:s8] =	ssyncset.done $0x0  }
0x13e: {  	[sflag:s8] =	ssyncadd.s32 $0xFFFFE200  }
0x13f: {  	_ =	swait.ge [sflag:s6], $0x1E00  }
0x140: {  	[sflag:s6] =	ssyncset.done $0x0  }
0x141: {  	[sflag:s6] =	ssyncadd.s32 $0xFFFFE200  }
0x142: {  	_ =	swait.ge [sflag:s7], $0x1E00  }
0x143: {  	[sflag:s7] =	ssyncset.done $0x0  }
0x144: {  	[sflag:s7] =	ssyncadd.s32 $0xFFFFE200  }
0x145: {  	_ =	swait.ge [sflag:s8], $0x1E00  }
0x146: {  	[sflag:s8] =	ssyncset.done $0x0  }
0x147: {  	[sflag:s8] =	ssyncadd.s32 $0xFFFFE200  }
0x148: {  	_ =	swait.ge [sflag:s6], $0x1E00  }
0x149: {  	[sflag:s6] =	ssyncset.done $0x0  }
0x14a: {  	[sflag:s6] =	ssyncadd.s32 $0xFFFFE200  }
0x14b: {  	_ =	swait.ge [sflag:s7], $0x1E00  }
0x14c: {  	[sflag:s7] =	ssyncset.done $0x0  }
0x14d: {  	[sflag:s7] =	ssyncadd.s32 $0xFFFFE200  }
0x14e: {  	_ =	swait.ge [sflag:s8], $0x1E00  }
0x14f: {  	[sflag:s8] =	ssyncset.done $0x0  }
0x150: {  	[sflag:s8] =	ssyncadd.s32 $0xFFFFE200  }
0x151: {  	_ =	swait.ge [sflag:s6], $0x1E00  }
0x152: {  	[sflag:s6] =	ssyncset.done $0x0  }
0x153: {  	[sflag:s6] =	ssyncadd.s32 $0xFFFFE200  }
0x154: {  	_ =	swait.ge [sflag:s7], $0x1E00  }
0x155: {  	[sflag:s7] =	ssyncset.done $0x0  }
0x156: {  	s0 =	simm.s32 @!p0 $0x0;
	s1 =	simm.s32 @!p0 $0x600;
	[sflag:s7] =	ssyncadd.s32 $0xFFFFE200  }
0x157: {  	[hbm4b:s3+s0] =	stream.linear.scatter @!p0 [tilespmem:s1], [sflag:$0x1], $0x240, $0x38;
	[tilespmem:$0x4200] =	vst v63  }
0x158: {  	_ = 	snop  }
0x159: {  	[hbm4b:s4+s0] =	stream.linear.scatter @!p0 [tilespmem:s1], [sflag:$0x2], $0x240, $0x38;
	[tilespmem:$0x4200] =	vst v63  }
0x15a: {  	s1 =	simm.s32 @!p0 $0x2400  }
0x15b: {  	[hbm4b:s2+s0] =	stream.linear.scatter @!p0 [tilespmem:s1], [sflag:$0x3], $0x240, $0x38;
	[tilespmem:$0x4200] =	vst v63  }
0x15c: {  	s0 =	simm.s32 @!p0 $0x1  }
0x15d: {  	_ =	swait.ge @!p0 [sflag:s0], $0x240  }
0x15e: {  	[sflag:s0] =	ssyncset.done @!p0 $0x0  }
0x15f: {  	[sflag:s0] =	ssyncadd.s32 @!p0 $0xFFFFFDC0;
	s0 =	simm.s32 @!p0 $0x2  }
0x160: {  	_ =	swait.ge @!p0 [sflag:s0], $0x240  }
0x161: {  	[sflag:s0] =	ssyncset.done @!p0 $0x0  }
0x162: {  	[sflag:s0] =	ssyncadd.s32 @!p0 $0xFFFFFDC0;
	s0 =	simm.s32 @!p0 $0x3  }
0x163: {  	_ =	swait.ge @!p0 [sflag:s0], $0x240  }
0x164: {  	[sflag:s0] =	ssyncset.done @!p0 $0x0  }
0x165: {  	[sflag:s0] =	ssyncadd.s32 @!p0 $0xFFFFFDC0  }
0x166: {  	_ =	sfence.sel $0x180000  }
0x167: {  	[bflag:$0x0] =	sbarrier.arrive $0xFFFF  }
0x168: {  	p0 =	sne.s32 s28, $0x0;
	_ =	strace $0x90000047  }
0x169: {  	s0 =	sadd.s32 @!p0 $0x100000, s26;
	[bflag:$0x2] =	sbarrier.arrive $0xFFFF  }
0x16a: {  	[sflag:s0] =	ssyncadd.tile.s32 @!p0 $0x1;
	_ =	shalt  }
.LBB2_1:
.Ltmp3:
0x16b: {  	(pc) =	sbr.rel .LBB2_6-.Ltmp3, $2  }
0x16c: {  	_ =	sdelay $0x2  }
0x16d: {  	_ = 	snop  }
.LBB2_3:
.Ltmp4:
0x16e: {  	(pc) =	sbr.rel .LBB2_6-.Ltmp4, $3  }
0x16f: {  	_ =	sdelay $0x1  }
0x170: {  	s26 =	rddreg [dreg:$0x6]  }
0x171: {  	s28 =	stileid.u32;
	s23 =	simm.s32 $0x200;
	s24 =	simm.s32 $0x400  }
.Lfunc_end2:
_tile_overlayer_lowered:
.L_overlay_start_2:
0x172: {  	(tag) =	ssettag $0x2  }
0x173: {  	s0 =	rddreg [dreg:$0x0];
	s2 =	stileid.u32  }
0x174: {  	s1 =	rddreg [dreg:$0x1];
	p0 =	sne.s32 s2, $0x0  }
0x175: {  	s3 =	rddreg [dreg:$0x2];
	[bflag:$0x3] =	sbarrier.arrive $0xFFFF;
	s2 =	simm.s32 @!p0 $0x1C04  }
0x176: {  	[timem:s3], [sflag:s2] =	dma.local @!p0 [hbm:s0], s1  }
0x177: {  	s0 =	simm.s32 @!p0 $0x4  }
0x178: {  	_ =	swait.ge @!p0 [sflag:s0], s1  }
0x179: {  	s1 =	ssub.s32 @!p0 $0x0, s1;
	[sflag:s0] =	ssyncset.done @!p0 $0x0  }
0x17a: {  	[sflag:s0] =	ssyncadd.s32 @!p0 s1  }
0x17b: {  	[bflag:$0x3] =	sbarrier.arrive $0xFFFF  }
0x17c: {  	_ =	shalt  }

</sc_bundles>
